<compile_context>
chip_gen: v7x
topology: tpu7x:2x2x1
jax: 0.10.2.dev20260603
libtpu: 0.0.44.dev20260713+nightly
codegen_flags: <defaults>
</compile_context>

<pallas_src>
import functools

import jax
import jax.numpy as jnp
from jax import lax
from jax.experimental import pallas as pl
from jax.experimental.pallas import tpu as pltpu
from jax.experimental.pallas import tpu_sc as plsc

N = 10000
E = 320000
D = 128

NC = 2
NS = 16
NW = NC * NS
CHUNK = 128
CPW = 79
EPW = CPW * CHUNK
EPAD = NW * EPW
NPAD = 10240
RPS = NPAD // NS
DUMMY = N
DEGW = 128



@functools.cache
def _build_sc_kernels():
    mesh = plsc.VectorSubcoreMesh(
        core_axis_name="c", subcore_axis_name="s",
        num_cores=NC, num_subcores=NS,
    )

    @functools.partial(
        pl.kernel,
        out_type=jax.ShapeDtypeStruct((NC, NPAD, DEGW), jnp.float32),
        mesh=mesh,
        scratch_types=[
            pltpu.VMEM((CPW, CHUNK), jnp.int32),
            pltpu.VMEM((CHUNK, DEGW), jnp.float32),
            pltpu.VMEM_SHARED((NPAD, DEGW), jnp.float32),
        ],
    )
    def sc_degree(col_hbm, ones_hbm, zeros_hbm, out_hbm, colv, onesv, acc):
        c = lax.axis_index("c")
        s = lax.axis_index("s")
        wid = s * NC + c
        pltpu.sync_copy(zeros_hbm, acc.at[pl.ds(s * RPS, RPS)])
        pltpu.sync_copy(ones_hbm, onesv)
        pltpu.sync_copy(col_hbm.at[wid], colv)
        plsc.subcore_barrier()

        def body(j, carry):
            pltpu.sync_copy(onesv, acc.at[colv.at[j]], add=True)
            return carry

        lax.fori_loop(0, CPW, body, 0)
        plsc.subcore_barrier()
        pltpu.sync_copy(acc.at[pl.ds(s * RPS, RPS)],
                        out_hbm.at[c, pl.ds(s * RPS, RPS)])

    @functools.partial(
        pl.kernel,
        out_type=jax.ShapeDtypeStruct((NC, NPAD, D), jnp.float32),
        mesh=mesh,
        scratch_types=[
            pltpu.VMEM((CPW, CHUNK), jnp.int32),
            pltpu.VMEM((CPW, CHUNK), jnp.int32),
            pltpu.VMEM((CHUNK, D), jnp.float32),
            pltpu.VMEM_SHARED((NPAD, D), jnp.float32),
            pltpu.SemaphoreType.DMA,
        ],
    )
    def sc_scatter(z_hbm, row_hbm, col_hbm, zeros_hbm, out_hbm,
                   rowv, colv, buf, acc, sem):
        c = lax.axis_index("c")
        s = lax.axis_index("s")
        wid = s * NC + c
        pltpu.sync_copy(zeros_hbm, acc.at[pl.ds(s * RPS, RPS)])
        pltpu.sync_copy(row_hbm.at[wid], rowv)
        pltpu.sync_copy(col_hbm.at[wid], colv)
        plsc.subcore_barrier()

        def body(j, carry):
            pltpu.async_copy(z_hbm.at[rowv.at[j]], buf, sem).wait()
            pltpu.sync_copy(buf, acc.at[colv.at[j]], add=True)
            return carry

        lax.fori_loop(0, CPW, body, 0)
        plsc.subcore_barrier()
        pltpu.sync_copy(acc.at[pl.ds(s * RPS, RPS)],
                        out_hbm.at[c, pl.ds(s * RPS, RPS)])

    return sc_degree, sc_scatter



def _tc_pre_body(x_ref, w_ref, degp_ref, z_ref, dinv_ref):
    deg = degp_ref[0, :, 0:1] + degp_ref[1, :, 0:1] + 1.0
    dinv = lax.rsqrt(deg)[:N]
    dinv_ref[...] = dinv
    y = jnp.dot(x_ref[...], w_ref[...], preferred_element_type=jnp.float32)
    z_ref[...] = y * dinv


def _tc_mid_body(s_ref, z_ref, dinv_ref, b_ref, w_ref, z2_ref):
    ssum = s_ref[0, :N, :] + s_ref[1, :N, :]
    h = (ssum + z_ref[...]) * dinv_ref[...] + b_ref[...]
    h = jnp.maximum(h, 0.0)
    y = jnp.dot(h, w_ref[...], preferred_element_type=jnp.float32)
    z2_ref[...] = y * dinv_ref[...]


def _tc_post_body(s_ref, z_ref, dinv_ref, b_ref, o_ref):
    ssum = s_ref[0, :N, :] + s_ref[1, :N, :]
    o_ref[...] = (ssum + z_ref[...]) * dinv_ref[...] + b_ref[...]


_tc_pre = pl.pallas_call(
    _tc_pre_body,
    out_shape=(
        jax.ShapeDtypeStruct((N, D), jnp.float32),
        jax.ShapeDtypeStruct((N, 1), jnp.float32),
    ),
)

_tc_mid = pl.pallas_call(
    _tc_mid_body,
    out_shape=jax.ShapeDtypeStruct((N, D), jnp.float32),
)

_tc_post = pl.pallas_call(
    _tc_post_body,
    out_shape=jax.ShapeDtypeStruct((N, D), jnp.float32),
)



@jax.jit
def _run(label_embedding, edge_index, W1, b1, W2, b2):
    _sc_degree, _sc_scatter = _build_sc_kernels()
    row = edge_index[0]
    col = edge_index[1]
    pad = EPAD - E
    rowp = jnp.concatenate([row, jnp.zeros((pad,), jnp.int32)])
    colp = jnp.concatenate([col, jnp.full((pad,), DUMMY, jnp.int32)])
    rowp = rowp.reshape(NW, CPW, CHUNK)
    colp = colp.reshape(NW, CPW, CHUNK)

    ones_deg = jnp.ones((CHUNK, DEGW), jnp.float32)
    zeros_deg = jnp.zeros((RPS, DEGW), jnp.float32)
    zeros_acc = jnp.zeros((RPS, D), jnp.float32)
    b1r = b1.reshape(1, D)
    b2r = b2.reshape(1, D)

    degp = _sc_degree(colp, ones_deg, zeros_deg)
    z1, dinv = _tc_pre(label_embedding, W1, degp)
    s1 = _sc_scatter(z1, rowp, colp, zeros_acc)
    z2 = _tc_mid(s1, z1, dinv, b1r, W2)
    s2 = _sc_scatter(z2, rowp, colp, zeros_acc)
    return _tc_post(s2, z2, dinv, b2r)


def kernel(label_embedding, edge_index, W1, b1, W2, b2):
    return _run(label_embedding, edge_index, W1, b1, W2, b2)

# --- scband reference (transcript-rebuilt; emitter-appended) ---
"""Pipeline reference for scband-encoder-model-33363305955794 (READ-ONLY COPY).

The authoritative reference and input builder live on the scoring server;
editing this copy changes nothing except your own understanding.
"""

import jax, jax.numpy as jnp
import numpy as np

N = 10000      # num_label / n_nodes
E = 320000     # n_edges
D_IN = 128     # def_emb_dim
D_HID = 128    # gcnn_dim


def gcn_conv(x, edge_index, W, b):
    # Faithful PyG GCNConv: add self-loops, symmetric deg^{-1/2} normalization,
    # linear transform, scatter-add aggregation by dst, plus bias.
    n = x.shape[0]
    self_loops = jnp.arange(n, dtype=edge_index.dtype)
    row = jnp.concatenate([edge_index[0], self_loops])  # src
    col = jnp.concatenate([edge_index[1], self_loops])  # dst
    x = x @ W
    deg = jnp.zeros((n,), dtype=x.dtype).at[col].add(1.0)
    deg_inv_sqrt = jnp.where(deg > 0, 1.0 / jnp.sqrt(deg), 0.0)
    norm = deg_inv_sqrt[row] * deg_inv_sqrt[col]
    msg = x[row] * norm[:, None]
    out = jax.ops.segment_sum(msg, col, num_segments=n)
    return out + b


def setup_inputs(seed: int = 0) -> dict:
    key = jax.random.key(seed)
    k1, k2, k3, k4, k5, k6 = jax.random.split(key, 6)
    edge_index = jax.random.randint(k1, (2, E), 0, N, dtype=jnp.int32)
    label_embedding = jax.random.normal(k2, (N, D_IN), dtype=jnp.float32)
    W1 = jax.random.normal(k3, (D_IN, D_HID), dtype=jnp.float32) * (1.0 / np.sqrt(D_IN))
    b1 = jnp.zeros((D_HID,), dtype=jnp.float32)
    W2 = jax.random.normal(k4, (D_HID, D_HID), dtype=jnp.float32) * (1.0 / np.sqrt(D_HID))
    b2 = jnp.zeros((D_HID,), dtype=jnp.float32)
    return {"label_embedding": label_embedding, "edge_index": edge_index,
            "W1": W1, "b1": b1, "W2": W2, "b2": b2}


def reference(label_embedding, edge_index, W1, b1, W2, b2):
    # encoder_model.gcn_2layer: nonlinear(gcn1(emb, ei)) -> gcn2(., ei)
    node_emb = jax.nn.relu(gcn_conv(label_embedding, edge_index, W1, b1))
    return gcn_conv(node_emb, edge_index, W2, b2)

if __name__ == "__main__":
    import jax
    _d = setup_inputs()
    print(jax.jit(kernel)(*tuple(_d.values())))

</pallas_src>

<mosaic_0001>
#map = affine_map<(d0, d1) -> (0, 0, 0)>
#map1 = affine_map<(d0, d1) -> (0, 0)>
module attributes {stable_mosaic.version = 14 : i64} {
  func.func @sc_degree(%arg0: i32, %arg1: i32, %arg2: memref<32x79x128xi32, #tpu.memory_space<hbm>>, %arg3: memref<128x128xf32, #tpu.memory_space<hbm>>, %arg4: memref<640x128xf32, #tpu.memory_space<hbm>>, %arg5: memref<2x10240x128xf32, #tpu.memory_space<hbm>>, %arg6: memref<79x128xi32, #tpu.memory_space<vmem>>, %arg7: memref<128x128xf32, #tpu.memory_space<vmem>>, %arg8: memref<10240x128xf32, #tpu.memory_space<vmem_shared>>) attributes {dimension_semantics = [#tpu.dimension_semantics<core_parallel>, #tpu.dimension_semantics<subcore_parallel>], iteration_bounds = array<i64: 2, 16>, scalar_prefetch = 0 : i64, scratch_operands = 3 : i64, tpu.core_type = #tpu.core_type<sc_vector_subcore>, window_params = [{transform_indices = #map}, {transform_indices = #map1}, {transform_indices = #map1}, {transform_indices = #map}]} {
    %mul3A = arith.constant 2 : i32
    %mul3A_0 = arith.muli %arg1, %mul3A : i32
    %add3A = arith.addi %mul3A_0, %arg0 : i32
    %mul3A_1 = arith.constant 640 : i32
    %mul3A_2 = arith.muli %arg1, %mul3A_1 : i32
    "tpu.region"() ({
      %run_scoped3A = tpu.sem_alloc : memref<!tpu.dma_semaphore, #tpu.memory_space<semaphore_mem>>
      %dma_start3A = arith.constant 0 : i32
      %dma_start3A_13 = tpu.memref_slice %arg8[%mul3A_2, %dma_start3A] : memref<10240x128xf32, #tpu.memory_space<vmem_shared>> -> memref<640x128xf32, #tpu.memory_space<vmem_shared>>
      tpu.enqueue_dma source(%arg4 : memref<640x128xf32, #tpu.memory_space<hbm>>) target(%dma_start3A_13 : memref<640x128xf32, #tpu.memory_space<vmem_shared>>) target_semaphore(%run_scoped3A : memref<!tpu.dma_semaphore, #tpu.memory_space<semaphore_mem>>)
      %dma_wait3A = arith.constant 0 : i32
      %dma_wait3A_14 = tpu.memref_slice %arg8[%mul3A_2, %dma_wait3A] : memref<10240x128xf32, #tpu.memory_space<vmem_shared>> -> memref<640x128xf32, #tpu.memory_space<vmem_shared>>
      tpu.wait_dma2 semaphore(%run_scoped3A : memref<!tpu.dma_semaphore, #tpu.memory_space<semaphore_mem>>) src(%arg4 : memref<640x128xf32, #tpu.memory_space<hbm>>) dst(%dma_wait3A_14 : memref<640x128xf32, #tpu.memory_space<vmem_shared>>)
      tpu.yield
    }) : () -> ()
    "tpu.region"() ({
      %run_scoped3A = tpu.sem_alloc : memref<!tpu.dma_semaphore, #tpu.memory_space<semaphore_mem>>
      tpu.enqueue_dma source(%arg3 : memref<128x128xf32, #tpu.memory_space<hbm>>) target(%arg7 : memref<128x128xf32, #tpu.memory_space<vmem>>) target_semaphore(%run_scoped3A : memref<!tpu.dma_semaphore, #tpu.memory_space<semaphore_mem>>)
      tpu.wait_dma2 semaphore(%run_scoped3A : memref<!tpu.dma_semaphore, #tpu.memory_space<semaphore_mem>>) src(%arg3 : memref<128x128xf32, #tpu.memory_space<hbm>>) dst(%arg7 : memref<128x128xf32, #tpu.memory_space<vmem>>)
      tpu.yield
    }) : () -> ()
    "tpu.region"() ({
      %run_scoped3A = tpu.sem_alloc : memref<!tpu.dma_semaphore, #tpu.memory_space<semaphore_mem>>
      %dma_start3A = arith.constant 0 : i32
      %dma_start3A_13 = arith.constant 0 : i32
      %dma_start3A_14 = tpu.memref_slice %arg2[%add3A, %dma_start3A, %dma_start3A_13] : memref<32x79x128xi32, #tpu.memory_space<hbm>> -> memref<1x79x128xi32, #tpu.memory_space<hbm>>
      %dma_start3A_15 = tpu.memref_squeeze %dma_start3A_14 : memref<1x79x128xi32, #tpu.memory_space<hbm>> -> memref<79x128xi32, #tpu.memory_space<hbm>>
      %dma_start3A_16 = arith.constant 0 : i32
      %dma_start3A_17 = arith.constant 0 : i32
      %dma_start3A_18 = tpu.memref_slice %arg2[%add3A, %dma_start3A_16, %dma_start3A_17] : memref<32x79x128xi32, #tpu.memory_space<hbm>> -> memref<1x79x128xi32, #tpu.memory_space<hbm>>
      %dma_start3A_19 = tpu.memref_squeeze %dma_start3A_18 : memref<1x79x128xi32, #tpu.memory_space<hbm>> -> memref<79x128xi32, #tpu.memory_space<hbm>>
      tpu.enqueue_dma source(%dma_start3A_19 : memref<79x128xi32, #tpu.memory_space<hbm>>) target(%arg6 : memref<79x128xi32, #tpu.memory_space<vmem>>) target_semaphore(%run_scoped3A : memref<!tpu.dma_semaphore, #tpu.memory_space<semaphore_mem>>)
      %dma_wait3A = arith.constant 0 : i32
      %dma_wait3A_20 = arith.constant 0 : i32
      %dma_wait3A_21 = tpu.memref_slice %arg2[%add3A, %dma_wait3A, %dma_wait3A_20] : memref<32x79x128xi32, #tpu.memory_space<hbm>> -> memref<1x79x128xi32, #tpu.memory_space<hbm>>
      %dma_wait3A_22 = tpu.memref_squeeze %dma_wait3A_21 : memref<1x79x128xi32, #tpu.memory_space<hbm>> -> memref<79x128xi32, #tpu.memory_space<hbm>>
      %dma_wait3A_23 = arith.constant 0 : i32
      %dma_wait3A_24 = arith.constant 0 : i32
      %dma_wait3A_25 = tpu.memref_slice %arg2[%add3A, %dma_wait3A_23, %dma_wait3A_24] : memref<32x79x128xi32, #tpu.memory_space<hbm>> -> memref<1x79x128xi32, #tpu.memory_space<hbm>>
      %dma_wait3A_26 = tpu.memref_squeeze %dma_wait3A_25 : memref<1x79x128xi32, #tpu.memory_space<hbm>> -> memref<79x128xi32, #tpu.memory_space<hbm>>
      tpu.wait_dma2 semaphore(%run_scoped3A : memref<!tpu.dma_semaphore, #tpu.memory_space<semaphore_mem>>) src(%dma_wait3A_26 : memref<79x128xi32, #tpu.memory_space<hbm>>) dst(%arg6 : memref<79x128xi32, #tpu.memory_space<vmem>>)
      tpu.yield
    }) : () -> ()
    %barrier3A = arith.constant 0 : index
    tpu.barrier barrier_id(%barrier3A)
    %scan3A = arith.constant 0 : i32
    %scan3A_3 = arith.constant 0 : i32
    %scan3A_4 = arith.constant 79 : i32
    %scan3A_5 = arith.addi %scan3A_3, %scan3A_4 : i32
    %scan3A_6 = arith.constant 1 : i32
    scf.for %scan3A_13 = %scan3A_3 to %scan3A_5 step %scan3A_6  : i32 {
      "tpu.region"() ({
        %run_scoped3A = tpu.sem_alloc : memref<!tpu.dma_semaphore, #tpu.memory_space<semaphore_mem>>
        %dma_start3A = arith.constant 0 : i32
        %dma_start3A_14 = tpu.memref_slice %arg6[%scan3A_13, %dma_start3A] : memref<79x128xi32, #tpu.memory_space<vmem>> -> memref<1x128xi32, #tpu.memory_space<vmem>>
        %dma_start3A_15 = tpu.memref_squeeze %dma_start3A_14 : memref<1x128xi32, #tpu.memory_space<vmem>> -> memref<128xi32, #tpu.memory_space<vmem>>
        %dma_start3A_16 = arith.constant 0 : i32
        %dma_start3A_17 = arith.constant 0 : i32
        %dma_start3A_18 = tpu.memref_slice %arg8[%dma_start3A_16, %dma_start3A_17] : memref<10240x128xf32, #tpu.memory_space<vmem_shared>> -> memref<10240x128xf32, #tpu.memory_space<vmem_shared>>
        tpu.enqueue_indirect_dma source(%arg7 : memref<128x128xf32, #tpu.memory_space<vmem>>) target(%dma_start3A_18 : memref<10240x128xf32, #tpu.memory_space<vmem_shared>>) offsets(%dma_start3A_15 : memref<128xi32, #tpu.memory_space<vmem>>) semaphore(%run_scoped3A : memref<!tpu.dma_semaphore, #tpu.memory_space<semaphore_mem>>) {add = true}
        %dma_wait3A = arith.constant 0 : i32
        %dma_wait3A_19 = tpu.memref_slice %arg6[%scan3A_13, %dma_wait3A] : memref<79x128xi32, #tpu.memory_space<vmem>> -> memref<1x128xi32, #tpu.memory_space<vmem>>
        %dma_wait3A_20 = tpu.memref_squeeze %dma_wait3A_19 : memref<1x128xi32, #tpu.memory_space<vmem>> -> memref<128xi32, #tpu.memory_space<vmem>>
        %dma_wait3A_21 = arith.constant 0 : i32
        %dma_wait3A_22 = arith.constant 0 : i32
        %dma_wait3A_23 = tpu.memref_slice %arg8[%dma_wait3A_21, %dma_wait3A_22] : memref<10240x128xf32, #tpu.memory_space<vmem_shared>> -> memref<10240x128xf32, #tpu.memory_space<vmem_shared>>
        tpu.wait_indirect_dma semaphore(%run_scoped3A : memref<!tpu.dma_semaphore, #tpu.memory_space<semaphore_mem>>) src(%arg7 : memref<128x128xf32, #tpu.memory_space<vmem>>) dst(%dma_wait3A_23 : memref<10240x128xf32, #tpu.memory_space<vmem_shared>>)
        tpu.yield
      }) : () -> ()
    }
    %scan3A_7 = arith.constant 79 : i32
    %barrier3A_8 = arith.constant 0 : index
    tpu.barrier barrier_id(%barrier3A_8)
    %mul3A_9 = arith.constant 640 : i32
    %mul3A_10 = arith.muli %arg1, %mul3A_9 : i32
    %mul3A_11 = arith.constant 640 : i32
    %mul3A_12 = arith.muli %arg1, %mul3A_11 : i32
    "tpu.region"() ({
      %run_scoped3A = tpu.sem_alloc : memref<!tpu.dma_semaphore, #tpu.memory_space<semaphore_mem>>
      %dma_start3A = arith.constant 0 : i32
      %dma_start3A_13 = tpu.memref_slice %arg5[%arg0, %mul3A_12, %dma_start3A] : memref<2x10240x128xf32, #tpu.memory_space<hbm>> -> memref<1x640x128xf32, #tpu.memory_space<hbm>>
      %dma_start3A_14 = tpu.memref_squeeze %dma_start3A_13 : memref<1x640x128xf32, #tpu.memory_space<hbm>> -> memref<640x128xf32, #tpu.memory_space<hbm>>
      %dma_start3A_15 = arith.constant 0 : i32
      %dma_start3A_16 = tpu.memref_slice %arg8[%mul3A_10, %dma_start3A_15] : memref<10240x128xf32, #tpu.memory_space<vmem_shared>> -> memref<640x128xf32, #tpu.memory_space<vmem_shared>>
      tpu.enqueue_dma source(%dma_start3A_16 : memref<640x128xf32, #tpu.memory_space<vmem_shared>>) target(%dma_start3A_14 : memref<640x128xf32, #tpu.memory_space<hbm>>) target_semaphore(%run_scoped3A : memref<!tpu.dma_semaphore, #tpu.memory_space<semaphore_mem>>)
      %dma_wait3A = arith.constant 0 : i32
      %dma_wait3A_17 = tpu.memref_slice %arg5[%arg0, %mul3A_12, %dma_wait3A] : memref<2x10240x128xf32, #tpu.memory_space<hbm>> -> memref<1x640x128xf32, #tpu.memory_space<hbm>>
      %dma_wait3A_18 = tpu.memref_squeeze %dma_wait3A_17 : memref<1x640x128xf32, #tpu.memory_space<hbm>> -> memref<640x128xf32, #tpu.memory_space<hbm>>
      %dma_wait3A_19 = arith.constant 0 : i32
      %dma_wait3A_20 = tpu.memref_slice %arg8[%mul3A_10, %dma_wait3A_19] : memref<10240x128xf32, #tpu.memory_space<vmem_shared>> -> memref<640x128xf32, #tpu.memory_space<vmem_shared>>
      tpu.wait_dma2 semaphore(%run_scoped3A : memref<!tpu.dma_semaphore, #tpu.memory_space<semaphore_mem>>) src(%dma_wait3A_20 : memref<640x128xf32, #tpu.memory_space<vmem_shared>>) dst(%dma_wait3A_18 : memref<640x128xf32, #tpu.memory_space<hbm>>)
      tpu.yield
    }) : () -> ()
    return
  }
}

#map = affine_map<(d0, d1) -> (0, 0)>
#map1 = affine_map<(d0, d1) -> (0, 0, 0)>
module attributes {stable_mosaic.version = 14 : i64} {
  func.func @sc_scatter(%arg0: i32, %arg1: i32, %arg2: memref<10000x128xf32, #tpu.memory_space<hbm>>, %arg3: memref<32x79x128xi32, #tpu.memory_space<hbm>>, %arg4: memref<32x79x128xi32, #tpu.memory_space<hbm>>, %arg5: memref<640x128xf32, #tpu.memory_space<hbm>>, %arg6: memref<2x10240x128xf32, #tpu.memory_space<hbm>>, %arg7: memref<79x128xi32, #tpu.memory_space<vmem>>, %arg8: memref<79x128xi32, #tpu.memory_space<vmem>>, %arg9: memref<128x128xf32, #tpu.memory_space<vmem>>, %arg10: memref<10240x128xf32, #tpu.memory_space<vmem_shared>>, %arg11: memref<!tpu.dma_semaphore, #tpu.memory_space<semaphore_mem>>) attributes {dimension_semantics = [#tpu.dimension_semantics<core_parallel>, #tpu.dimension_semantics<subcore_parallel>], iteration_bounds = array<i64: 2, 16>, scalar_prefetch = 0 : i64, scratch_operands = 5 : i64, tpu.core_type = #tpu.core_type<sc_vector_subcore>, window_params = [{transform_indices = #map}, {transform_indices = #map1}, {transform_indices = #map1}, {transform_indices = #map}, {transform_indices = #map1}]} {
    %mul3A = arith.constant 2 : i32
    %mul3A_0 = arith.muli %arg1, %mul3A : i32
    %add3A = arith.addi %mul3A_0, %arg0 : i32
    %mul3A_1 = arith.constant 640 : i32
    %mul3A_2 = arith.muli %arg1, %mul3A_1 : i32
    "tpu.region"() ({
      %run_scoped3A = tpu.sem_alloc : memref<!tpu.dma_semaphore, #tpu.memory_space<semaphore_mem>>
      %dma_start3A = arith.constant 0 : i32
      %dma_start3A_13 = tpu.memref_slice %arg10[%mul3A_2, %dma_start3A] : memref<10240x128xf32, #tpu.memory_space<vmem_shared>> -> memref<640x128xf32, #tpu.memory_space<vmem_shared>>
      tpu.enqueue_dma source(%arg5 : memref<640x128xf32, #tpu.memory_space<hbm>>) target(%dma_start3A_13 : memref<640x128xf32, #tpu.memory_space<vmem_shared>>) target_semaphore(%run_scoped3A : memref<!tpu.dma_semaphore, #tpu.memory_space<semaphore_mem>>)
      %dma_wait3A = arith.constant 0 : i32
      %dma_wait3A_14 = tpu.memref_slice %arg10[%mul3A_2, %dma_wait3A] : memref<10240x128xf32, #tpu.memory_space<vmem_shared>> -> memref<640x128xf32, #tpu.memory_space<vmem_shared>>
      tpu.wait_dma2 semaphore(%run_scoped3A : memref<!tpu.dma_semaphore, #tpu.memory_space<semaphore_mem>>) src(%arg5 : memref<640x128xf32, #tpu.memory_space<hbm>>) dst(%dma_wait3A_14 : memref<640x128xf32, #tpu.memory_space<vmem_shared>>)
      tpu.yield
    }) : () -> ()
    "tpu.region"() ({
      %run_scoped3A = tpu.sem_alloc : memref<!tpu.dma_semaphore, #tpu.memory_space<semaphore_mem>>
      %dma_start3A = arith.constant 0 : i32
      %dma_start3A_13 = arith.constant 0 : i32
      %dma_start3A_14 = tpu.memref_slice %arg3[%add3A, %dma_start3A, %dma_start3A_13] : memref<32x79x128xi32, #tpu.memory_space<hbm>> -> memref<1x79x128xi32, #tpu.memory_space<hbm>>
      %dma_start3A_15 = tpu.memref_squeeze %dma_start3A_14 : memref<1x79x128xi32, #tpu.memory_space<hbm>> -> memref<79x128xi32, #tpu.memory_space<hbm>>
      %dma_start3A_16 = arith.constant 0 : i32
      %dma_start3A_17 = arith.constant 0 : i32
      %dma_start3A_18 = tpu.memref_slice %arg3[%add3A, %dma_start3A_16, %dma_start3A_17] : memref<32x79x128xi32, #tpu.memory_space<hbm>> -> memref<1x79x128xi32, #tpu.memory_space<hbm>>
      %dma_start3A_19 = tpu.memref_squeeze %dma_start3A_18 : memref<1x79x128xi32, #tpu.memory_space<hbm>> -> memref<79x128xi32, #tpu.memory_space<hbm>>
      tpu.enqueue_dma source(%dma_start3A_19 : memref<79x128xi32, #tpu.memory_space<hbm>>) target(%arg7 : memref<79x128xi32, #tpu.memory_space<vmem>>) target_semaphore(%run_scoped3A : memref<!tpu.dma_semaphore, #tpu.memory_space<semaphore_mem>>)
      %dma_wait3A = arith.constant 0 : i32
      %dma_wait3A_20 = arith.constant 0 : i32
      %dma_wait3A_21 = tpu.memref_slice %arg3[%add3A, %dma_wait3A, %dma_wait3A_20] : memref<32x79x128xi32, #tpu.memory_space<hbm>> -> memref<1x79x128xi32, #tpu.memory_space<hbm>>
      %dma_wait3A_22 = tpu.memref_squeeze %dma_wait3A_21 : memref<1x79x128xi32, #tpu.memory_space<hbm>> -> memref<79x128xi32, #tpu.memory_space<hbm>>
      %dma_wait3A_23 = arith.constant 0 : i32
      %dma_wait3A_24 = arith.constant 0 : i32
      %dma_wait3A_25 = tpu.memref_slice %arg3[%add3A, %dma_wait3A_23, %dma_wait3A_24] : memref<32x79x128xi32, #tpu.memory_space<hbm>> -> memref<1x79x128xi32, #tpu.memory_space<hbm>>
      %dma_wait3A_26 = tpu.memref_squeeze %dma_wait3A_25 : memref<1x79x128xi32, #tpu.memory_space<hbm>> -> memref<79x128xi32, #tpu.memory_space<hbm>>
      tpu.wait_dma2 semaphore(%run_scoped3A : memref<!tpu.dma_semaphore, #tpu.memory_space<semaphore_mem>>) src(%dma_wait3A_26 : memref<79x128xi32, #tpu.memory_space<hbm>>) dst(%arg7 : memref<79x128xi32, #tpu.memory_space<vmem>>)
      tpu.yield
    }) : () -> ()
    "tpu.region"() ({
      %run_scoped3A = tpu.sem_alloc : memref<!tpu.dma_semaphore, #tpu.memory_space<semaphore_mem>>
      %dma_start3A = arith.constant 0 : i32
      %dma_start3A_13 = arith.constant 0 : i32
      %dma_start3A_14 = tpu.memref_slice %arg4[%add3A, %dma_start3A, %dma_start3A_13] : memref<32x79x128xi32, #tpu.memory_space<hbm>> -> memref<1x79x128xi32, #tpu.memory_space<hbm>>
      %dma_start3A_15 = tpu.memref_squeeze %dma_start3A_14 : memref<1x79x128xi32, #tpu.memory_space<hbm>> -> memref<79x128xi32, #tpu.memory_space<hbm>>
      %dma_start3A_16 = arith.constant 0 : i32
      %dma_start3A_17 = arith.constant 0 : i32
      %dma_start3A_18 = tpu.memref_slice %arg4[%add3A, %dma_start3A_16, %dma_start3A_17] : memref<32x79x128xi32, #tpu.memory_space<hbm>> -> memref<1x79x128xi32, #tpu.memory_space<hbm>>
      %dma_start3A_19 = tpu.memref_squeeze %dma_start3A_18 : memref<1x79x128xi32, #tpu.memory_space<hbm>> -> memref<79x128xi32, #tpu.memory_space<hbm>>
      tpu.enqueue_dma source(%dma_start3A_19 : memref<79x128xi32, #tpu.memory_space<hbm>>) target(%arg8 : memref<79x128xi32, #tpu.memory_space<vmem>>) target_semaphore(%run_scoped3A : memref<!tpu.dma_semaphore, #tpu.memory_space<semaphore_mem>>)
      %dma_wait3A = arith.constant 0 : i32
      %dma_wait3A_20 = arith.constant 0 : i32
      %dma_wait3A_21 = tpu.memref_slice %arg4[%add3A, %dma_wait3A, %dma_wait3A_20] : memref<32x79x128xi32, #tpu.memory_space<hbm>> -> memref<1x79x128xi32, #tpu.memory_space<hbm>>
      %dma_wait3A_22 = tpu.memref_squeeze %dma_wait3A_21 : memref<1x79x128xi32, #tpu.memory_space<hbm>> -> memref<79x128xi32, #tpu.memory_space<hbm>>
      %dma_wait3A_23 = arith.constant 0 : i32
      %dma_wait3A_24 = arith.constant 0 : i32
      %dma_wait3A_25 = tpu.memref_slice %arg4[%add3A, %dma_wait3A_23, %dma_wait3A_24] : memref<32x79x128xi32, #tpu.memory_space<hbm>> -> memref<1x79x128xi32, #tpu.memory_space<hbm>>
      %dma_wait3A_26 = tpu.memref_squeeze %dma_wait3A_25 : memref<1x79x128xi32, #tpu.memory_space<hbm>> -> memref<79x128xi32, #tpu.memory_space<hbm>>
      tpu.wait_dma2 semaphore(%run_scoped3A : memref<!tpu.dma_semaphore, #tpu.memory_space<semaphore_mem>>) src(%dma_wait3A_26 : memref<79x128xi32, #tpu.memory_space<hbm>>) dst(%arg8 : memref<79x128xi32, #tpu.memory_space<vmem>>)
      tpu.yield
    }) : () -> ()
    %barrier3A = arith.constant 0 : index
    tpu.barrier barrier_id(%barrier3A)
    %scan3A = arith.constant 0 : i32
    %scan3A_3 = arith.constant 0 : i32
    %scan3A_4 = arith.constant 79 : i32
    %scan3A_5 = arith.addi %scan3A_3, %scan3A_4 : i32
    %scan3A_6 = arith.constant 1 : i32
    scf.for %scan3A_13 = %scan3A_3 to %scan3A_5 step %scan3A_6  : i32 {
      %dma_start3A = arith.constant 0 : i32
      %dma_start3A_14 = tpu.memref_slice %arg7[%scan3A_13, %dma_start3A] : memref<79x128xi32, #tpu.memory_space<vmem>> -> memref<1x128xi32, #tpu.memory_space<vmem>>
      %dma_start3A_15 = tpu.memref_squeeze %dma_start3A_14 : memref<1x128xi32, #tpu.memory_space<vmem>> -> memref<128xi32, #tpu.memory_space<vmem>>
      %dma_start3A_16 = arith.constant 0 : i32
      %dma_start3A_17 = arith.constant 0 : i32
      %dma_start3A_18 = tpu.memref_slice %arg2[%dma_start3A_16, %dma_start3A_17] : memref<10000x128xf32, #tpu.memory_space<hbm>> -> memref<10000x128xf32, #tpu.memory_space<hbm>>
      tpu.enqueue_indirect_dma source(%dma_start3A_18 : memref<10000x128xf32, #tpu.memory_space<hbm>>) target(%arg9 : memref<128x128xf32, #tpu.memory_space<vmem>>) offsets(%dma_start3A_15 : memref<128xi32, #tpu.memory_space<vmem>>) semaphore(%arg11 : memref<!tpu.dma_semaphore, #tpu.memory_space<semaphore_mem>>)
      %dma_wait3A = arith.constant 0 : i32
      %dma_wait3A_19 = tpu.memref_slice %arg7[%scan3A_13, %dma_wait3A] : memref<79x128xi32, #tpu.memory_space<vmem>> -> memref<1x128xi32, #tpu.memory_space<vmem>>
      %dma_wait3A_20 = tpu.memref_squeeze %dma_wait3A_19 : memref<1x128xi32, #tpu.memory_space<vmem>> -> memref<128xi32, #tpu.memory_space<vmem>>
      %dma_wait3A_21 = arith.constant 0 : i32
      %dma_wait3A_22 = arith.constant 0 : i32
      %dma_wait3A_23 = tpu.memref_slice %arg2[%dma_wait3A_21, %dma_wait3A_22] : memref<10000x128xf32, #tpu.memory_space<hbm>> -> memref<10000x128xf32, #tpu.memory_space<hbm>>
      tpu.wait_indirect_dma semaphore(%arg11 : memref<!tpu.dma_semaphore, #tpu.memory_space<semaphore_mem>>) src(%dma_wait3A_23 : memref<10000x128xf32, #tpu.memory_space<hbm>>) dst(%arg9 : memref<128x128xf32, #tpu.memory_space<vmem>>)
      "tpu.region"() ({
        %run_scoped3A = tpu.sem_alloc : memref<!tpu.dma_semaphore, #tpu.memory_space<semaphore_mem>>
        %dma_start3A_24 = arith.constant 0 : i32
        %dma_start3A_25 = tpu.memref_slice %arg8[%scan3A_13, %dma_start3A_24] : memref<79x128xi32, #tpu.memory_space<vmem>> -> memref<1x128xi32, #tpu.memory_space<vmem>>
        %dma_start3A_26 = tpu.memref_squeeze %dma_start3A_25 : memref<1x128xi32, #tpu.memory_space<vmem>> -> memref<128xi32, #tpu.memory_space<vmem>>
        %dma_start3A_27 = arith.constant 0 : i32
        %dma_start3A_28 = arith.constant 0 : i32
        %dma_start3A_29 = tpu.memref_slice %arg10[%dma_start3A_27, %dma_start3A_28] : memref<10240x128xf32, #tpu.memory_space<vmem_shared>> -> memref<10240x128xf32, #tpu.memory_space<vmem_shared>>
        tpu.enqueue_indirect_dma source(%arg9 : memref<128x128xf32, #tpu.memory_space<vmem>>) target(%dma_start3A_29 : memref<10240x128xf32, #tpu.memory_space<vmem_shared>>) offsets(%dma_start3A_26 : memref<128xi32, #tpu.memory_space<vmem>>) semaphore(%run_scoped3A : memref<!tpu.dma_semaphore, #tpu.memory_space<semaphore_mem>>) {add = true}
        %dma_wait3A_30 = arith.constant 0 : i32
        %dma_wait3A_31 = tpu.memref_slice %arg8[%scan3A_13, %dma_wait3A_30] : memref<79x128xi32, #tpu.memory_space<vmem>> -> memref<1x128xi32, #tpu.memory_space<vmem>>
        %dma_wait3A_32 = tpu.memref_squeeze %dma_wait3A_31 : memref<1x128xi32, #tpu.memory_space<vmem>> -> memref<128xi32, #tpu.memory_space<vmem>>
        %dma_wait3A_33 = arith.constant 0 : i32
        %dma_wait3A_34 = arith.constant 0 : i32
        %dma_wait3A_35 = tpu.memref_slice %arg10[%dma_wait3A_33, %dma_wait3A_34] : memref<10240x128xf32, #tpu.memory_space<vmem_shared>> -> memref<10240x128xf32, #tpu.memory_space<vmem_shared>>
        tpu.wait_indirect_dma semaphore(%run_scoped3A : memref<!tpu.dma_semaphore, #tpu.memory_space<semaphore_mem>>) src(%arg9 : memref<128x128xf32, #tpu.memory_space<vmem>>) dst(%dma_wait3A_35 : memref<10240x128xf32, #tpu.memory_space<vmem_shared>>)
        tpu.yield
      }) : () -> ()
    }
    %scan3A_7 = arith.constant 79 : i32
    %barrier3A_8 = arith.constant 0 : index
    tpu.barrier barrier_id(%barrier3A_8)
    %mul3A_9 = arith.constant 640 : i32
    %mul3A_10 = arith.muli %arg1, %mul3A_9 : i32
    %mul3A_11 = arith.constant 640 : i32
    %mul3A_12 = arith.muli %arg1, %mul3A_11 : i32
    "tpu.region"() ({
      %run_scoped3A = tpu.sem_alloc : memref<!tpu.dma_semaphore, #tpu.memory_space<semaphore_mem>>
      %dma_start3A = arith.constant 0 : i32
      %dma_start3A_13 = tpu.memref_slice %arg6[%arg0, %mul3A_12, %dma_start3A] : memref<2x10240x128xf32, #tpu.memory_space<hbm>> -> memref<1x640x128xf32, #tpu.memory_space<hbm>>
      %dma_start3A_14 = tpu.memref_squeeze %dma_start3A_13 : memref<1x640x128xf32, #tpu.memory_space<hbm>> -> memref<640x128xf32, #tpu.memory_space<hbm>>
      %dma_start3A_15 = arith.constant 0 : i32
      %dma_start3A_16 = tpu.memref_slice %arg10[%mul3A_10, %dma_start3A_15] : memref<10240x128xf32, #tpu.memory_space<vmem_shared>> -> memref<640x128xf32, #tpu.memory_space<vmem_shared>>
      tpu.enqueue_dma source(%dma_start3A_16 : memref<640x128xf32, #tpu.memory_space<vmem_shared>>) target(%dma_start3A_14 : memref<640x128xf32, #tpu.memory_space<hbm>>) target_semaphore(%run_scoped3A : memref<!tpu.dma_semaphore, #tpu.memory_space<semaphore_mem>>)
      %dma_wait3A = arith.constant 0 : i32
      %dma_wait3A_17 = tpu.memref_slice %arg6[%arg0, %mul3A_12, %dma_wait3A] : memref<2x10240x128xf32, #tpu.memory_space<hbm>> -> memref<1x640x128xf32, #tpu.memory_space<hbm>>
      %dma_wait3A_18 = tpu.memref_squeeze %dma_wait3A_17 : memref<1x640x128xf32, #tpu.memory_space<hbm>> -> memref<640x128xf32, #tpu.memory_space<hbm>>
      %dma_wait3A_19 = arith.constant 0 : i32
      %dma_wait3A_20 = tpu.memref_slice %arg10[%mul3A_10, %dma_wait3A_19] : memref<10240x128xf32, #tpu.memory_space<vmem_shared>> -> memref<640x128xf32, #tpu.memory_space<vmem_shared>>
      tpu.wait_dma2 semaphore(%run_scoped3A : memref<!tpu.dma_semaphore, #tpu.memory_space<semaphore_mem>>) src(%dma_wait3A_20 : memref<640x128xf32, #tpu.memory_space<vmem_shared>>) dst(%dma_wait3A_18 : memref<640x128xf32, #tpu.memory_space<hbm>>)
      tpu.yield
    }) : () -> ()
    return
  }
}

#map = affine_map<(d0, d1) -> (0, 0)>
#map1 = affine_map<(d0, d1) -> (0, 0, 0)>
module attributes {stable_mosaic.version = 14 : i64} {
  func.func @sc_scatter(%arg0: i32, %arg1: i32, %arg2: memref<10000x128xf32, #tpu.memory_space<hbm>>, %arg3: memref<32x79x128xi32, #tpu.memory_space<hbm>>, %arg4: memref<32x79x128xi32, #tpu.memory_space<hbm>>, %arg5: memref<640x128xf32, #tpu.memory_space<hbm>>, %arg6: memref<2x10240x128xf32, #tpu.memory_space<hbm>>, %arg7: memref<79x128xi32, #tpu.memory_space<vmem>>, %arg8: memref<79x128xi32, #tpu.memory_space<vmem>>, %arg9: memref<128x128xf32, #tpu.memory_space<vmem>>, %arg10: memref<10240x128xf32, #tpu.memory_space<vmem_shared>>, %arg11: memref<!tpu.dma_semaphore, #tpu.memory_space<semaphore_mem>>) attributes {dimension_semantics = [#tpu.dimension_semantics<core_parallel>, #tpu.dimension_semantics<subcore_parallel>], iteration_bounds = array<i64: 2, 16>, scalar_prefetch = 0 : i64, scratch_operands = 5 : i64, tpu.core_type = #tpu.core_type<sc_vector_subcore>, window_params = [{transform_indices = #map}, {transform_indices = #map1}, {transform_indices = #map1}, {transform_indices = #map}, {transform_indices = #map1}]} {
    %mul3A = arith.constant 2 : i32
    %mul3A_0 = arith.muli %arg1, %mul3A : i32
    %add3A = arith.addi %mul3A_0, %arg0 : i32
    %mul3A_1 = arith.constant 640 : i32
    %mul3A_2 = arith.muli %arg1, %mul3A_1 : i32
    "tpu.region"() ({
      %run_scoped3A = tpu.sem_alloc : memref<!tpu.dma_semaphore, #tpu.memory_space<semaphore_mem>>
      %dma_start3A = arith.constant 0 : i32
      %dma_start3A_13 = tpu.memref_slice %arg10[%mul3A_2, %dma_start3A] : memref<10240x128xf32, #tpu.memory_space<vmem_shared>> -> memref<640x128xf32, #tpu.memory_space<vmem_shared>>
      tpu.enqueue_dma source(%arg5 : memref<640x128xf32, #tpu.memory_space<hbm>>) target(%dma_start3A_13 : memref<640x128xf32, #tpu.memory_space<vmem_shared>>) target_semaphore(%run_scoped3A : memref<!tpu.dma_semaphore, #tpu.memory_space<semaphore_mem>>)
      %dma_wait3A = arith.constant 0 : i32
      %dma_wait3A_14 = tpu.memref_slice %arg10[%mul3A_2, %dma_wait3A] : memref<10240x128xf32, #tpu.memory_space<vmem_shared>> -> memref<640x128xf32, #tpu.memory_space<vmem_shared>>
      tpu.wait_dma2 semaphore(%run_scoped3A : memref<!tpu.dma_semaphore, #tpu.memory_space<semaphore_mem>>) src(%arg5 : memref<640x128xf32, #tpu.memory_space<hbm>>) dst(%dma_wait3A_14 : memref<640x128xf32, #tpu.memory_space<vmem_shared>>)
      tpu.yield
    }) : () -> ()
    "tpu.region"() ({
      %run_scoped3A = tpu.sem_alloc : memref<!tpu.dma_semaphore, #tpu.memory_space<semaphore_mem>>
      %dma_start3A = arith.constant 0 : i32
      %dma_start3A_13 = arith.constant 0 : i32
      %dma_start3A_14 = tpu.memref_slice %arg3[%add3A, %dma_start3A, %dma_start3A_13] : memref<32x79x128xi32, #tpu.memory_space<hbm>> -> memref<1x79x128xi32, #tpu.memory_space<hbm>>
      %dma_start3A_15 = tpu.memref_squeeze %dma_start3A_14 : memref<1x79x128xi32, #tpu.memory_space<hbm>> -> memref<79x128xi32, #tpu.memory_space<hbm>>
      %dma_start3A_16 = arith.constant 0 : i32
      %dma_start3A_17 = arith.constant 0 : i32
      %dma_start3A_18 = tpu.memref_slice %arg3[%add3A, %dma_start3A_16, %dma_start3A_17] : memref<32x79x128xi32, #tpu.memory_space<hbm>> -> memref<1x79x128xi32, #tpu.memory_space<hbm>>
      %dma_start3A_19 = tpu.memref_squeeze %dma_start3A_18 : memref<1x79x128xi32, #tpu.memory_space<hbm>> -> memref<79x128xi32, #tpu.memory_space<hbm>>
      tpu.enqueue_dma source(%dma_start3A_19 : memref<79x128xi32, #tpu.memory_space<hbm>>) target(%arg7 : memref<79x128xi32, #tpu.memory_space<vmem>>) target_semaphore(%run_scoped3A : memref<!tpu.dma_semaphore, #tpu.memory_space<semaphore_mem>>)
      %dma_wait3A = arith.constant 0 : i32
      %dma_wait3A_20 = arith.constant 0 : i32
      %dma_wait3A_21 = tpu.memref_slice %arg3[%add3A, %dma_wait3A, %dma_wait3A_20] : memref<32x79x128xi32, #tpu.memory_space<hbm>> -> memref<1x79x128xi32, #tpu.memory_space<hbm>>
      %dma_wait3A_22 = tpu.memref_squeeze %dma_wait3A_21 : memref<1x79x128xi32, #tpu.memory_space<hbm>> -> memref<79x128xi32, #tpu.memory_space<hbm>>
      %dma_wait3A_23 = arith.constant 0 : i32
      %dma_wait3A_24 = arith.constant 0 : i32
      %dma_wait3A_25 = tpu.memref_slice %arg3[%add3A, %dma_wait3A_23, %dma_wait3A_24] : memref<32x79x128xi32, #tpu.memory_space<hbm>> -> memref<1x79x128xi32, #tpu.memory_space<hbm>>
      %dma_wait3A_26 = tpu.memref_squeeze %dma_wait3A_25 : memref<1x79x128xi32, #tpu.memory_space<hbm>> -> memref<79x128xi32, #tpu.memory_space<hbm>>
      tpu.wait_dma2 semaphore(%run_scoped3A : memref<!tpu.dma_semaphore, #tpu.memory_space<semaphore_mem>>) src(%dma_wait3A_26 : memref<79x128xi32, #tpu.memory_space<hbm>>) dst(%arg7 : memref<79x128xi32, #tpu.memory_space<vmem>>)
      tpu.yield
    }) : () -> ()
    "tpu.region"() ({
      %run_scoped3A = tpu.sem_alloc : memref<!tpu.dma_semaphore, #tpu.memory_space<semaphore_mem>>
      %dma_start3A = arith.constant 0 : i32
      %dma_start3A_13 = arith.constant 0 : i32
      %dma_start3A_14 = tpu.memref_slice %arg4[%add3A, %dma_start3A, %dma_start3A_13] : memref<32x79x128xi32, #tpu.memory_space<hbm>> -> memref<1x79x128xi32, #tpu.memory_space<hbm>>
      %dma_start3A_15 = tpu.memref_squeeze %dma_start3A_14 : memref<1x79x128xi32, #tpu.memory_space<hbm>> -> memref<79x128xi32, #tpu.memory_space<hbm>>
      %dma_start3A_16 = arith.constant 0 : i32
      %dma_start3A_17 = arith.constant 0 : i32
      %dma_start3A_18 = tpu.memref_slice %arg4[%add3A, %dma_start3A_16, %dma_start3A_17] : memref<32x79x128xi32, #tpu.memory_space<hbm>> -> memref<1x79x128xi32, #tpu.memory_space<hbm>>
      %dma_start3A_19 = tpu.memref_squeeze %dma_start3A_18 : memref<1x79x128xi32, #tpu.memory_space<hbm>> -> memref<79x128xi32, #tpu.memory_space<hbm>>
      tpu.enqueue_dma source(%dma_start3A_19 : memref<79x128xi32, #tpu.memory_space<hbm>>) target(%arg8 : memref<79x128xi32, #tpu.memory_space<vmem>>) target_semaphore(%run_scoped3A : memref<!tpu.dma_semaphore, #tpu.memory_space<semaphore_mem>>)
      %dma_wait3A = arith.constant 0 : i32
      %dma_wait3A_20 = arith.constant 0 : i32
      %dma_wait3A_21 = tpu.memref_slice %arg4[%add3A, %dma_wait3A, %dma_wait3A_20] : memref<32x79x128xi32, #tpu.memory_space<hbm>> -> memref<1x79x128xi32, #tpu.memory_space<hbm>>
      %dma_wait3A_22 = tpu.memref_squeeze %dma_wait3A_21 : memref<1x79x128xi32, #tpu.memory_space<hbm>> -> memref<79x128xi32, #tpu.memory_space<hbm>>
      %dma_wait3A_23 = arith.constant 0 : i32
      %dma_wait3A_24 = arith.constant 0 : i32
      %dma_wait3A_25 = tpu.memref_slice %arg4[%add3A, %dma_wait3A_23, %dma_wait3A_24] : memref<32x79x128xi32, #tpu.memory_space<hbm>> -> memref<1x79x128xi32, #tpu.memory_space<hbm>>
      %dma_wait3A_26 = tpu.memref_squeeze %dma_wait3A_25 : memref<1x79x128xi32, #tpu.memory_space<hbm>> -> memref<79x128xi32, #tpu.memory_space<hbm>>
      tpu.wait_dma2 semaphore(%run_scoped3A : memref<!tpu.dma_semaphore, #tpu.memory_space<semaphore_mem>>) src(%dma_wait3A_26 : memref<79x128xi32, #tpu.memory_space<hbm>>) dst(%arg8 : memref<79x128xi32, #tpu.memory_space<vmem>>)
      tpu.yield
    }) : () -> ()
    %barrier3A = arith.constant 0 : index
    tpu.barrier barrier_id(%barrier3A)
    %scan3A = arith.constant 0 : i32
    %scan3A_3 = arith.constant 0 : i32
    %scan3A_4 = arith.constant 79 : i32
    %scan3A_5 = arith.addi %scan3A_3, %scan3A_4 : i32
    %scan3A_6 = arith.constant 1 : i32
    scf.for %scan3A_13 = %scan3A_3 to %scan3A_5 step %scan3A_6  : i32 {
      %dma_start3A = arith.constant 0 : i32
      %dma_start3A_14 = tpu.memref_slice %arg7[%scan3A_13, %dma_start3A] : memref<79x128xi32, #tpu.memory_space<vmem>> -> memref<1x128xi32, #tpu.memory_space<vmem>>
      %dma_start3A_15 = tpu.memref_squeeze %dma_start3A_14 : memref<1x128xi32, #tpu.memory_space<vmem>> -> memref<128xi32, #tpu.memory_space<vmem>>
      %dma_start3A_16 = arith.constant 0 : i32
      %dma_start3A_17 = arith.constant 0 : i32
      %dma_start3A_18 = tpu.memref_slice %arg2[%dma_start3A_16, %dma_start3A_17] : memref<10000x128xf32, #tpu.memory_space<hbm>> -> memref<10000x128xf32, #tpu.memory_space<hbm>>
      tpu.enqueue_indirect_dma source(%dma_start3A_18 : memref<10000x128xf32, #tpu.memory_space<hbm>>) target(%arg9 : memref<128x128xf32, #tpu.memory_space<vmem>>) offsets(%dma_start3A_15 : memref<128xi32, #tpu.memory_space<vmem>>) semaphore(%arg11 : memref<!tpu.dma_semaphore, #tpu.memory_space<semaphore_mem>>)
      %dma_wait3A = arith.constant 0 : i32
      %dma_wait3A_19 = tpu.memref_slice %arg7[%scan3A_13, %dma_wait3A] : memref<79x128xi32, #tpu.memory_space<vmem>> -> memref<1x128xi32, #tpu.memory_space<vmem>>
      %dma_wait3A_20 = tpu.memref_squeeze %dma_wait3A_19 : memref<1x128xi32, #tpu.memory_space<vmem>> -> memref<128xi32, #tpu.memory_space<vmem>>
      %dma_wait3A_21 = arith.constant 0 : i32
      %dma_wait3A_22 = arith.constant 0 : i32
      %dma_wait3A_23 = tpu.memref_slice %arg2[%dma_wait3A_21, %dma_wait3A_22] : memref<10000x128xf32, #tpu.memory_space<hbm>> -> memref<10000x128xf32, #tpu.memory_space<hbm>>
      tpu.wait_indirect_dma semaphore(%arg11 : memref<!tpu.dma_semaphore, #tpu.memory_space<semaphore_mem>>) src(%dma_wait3A_23 : memref<10000x128xf32, #tpu.memory_space<hbm>>) dst(%arg9 : memref<128x128xf32, #tpu.memory_space<vmem>>)
      "tpu.region"() ({
        %run_scoped3A = tpu.sem_alloc : memref<!tpu.dma_semaphore, #tpu.memory_space<semaphore_mem>>
        %dma_start3A_24 = arith.constant 0 : i32
        %dma_start3A_25 = tpu.memref_slice %arg8[%scan3A_13, %dma_start3A_24] : memref<79x128xi32, #tpu.memory_space<vmem>> -> memref<1x128xi32, #tpu.memory_space<vmem>>
        %dma_start3A_26 = tpu.memref_squeeze %dma_start3A_25 : memref<1x128xi32, #tpu.memory_space<vmem>> -> memref<128xi32, #tpu.memory_space<vmem>>
        %dma_start3A_27 = arith.constant 0 : i32
        %dma_start3A_28 = arith.constant 0 : i32
        %dma_start3A_29 = tpu.memref_slice %arg10[%dma_start3A_27, %dma_start3A_28] : memref<10240x128xf32, #tpu.memory_space<vmem_shared>> -> memref<10240x128xf32, #tpu.memory_space<vmem_shared>>
        tpu.enqueue_indirect_dma source(%arg9 : memref<128x128xf32, #tpu.memory_space<vmem>>) target(%dma_start3A_29 : memref<10240x128xf32, #tpu.memory_space<vmem_shared>>) offsets(%dma_start3A_26 : memref<128xi32, #tpu.memory_space<vmem>>) semaphore(%run_scoped3A : memref<!tpu.dma_semaphore, #tpu.memory_space<semaphore_mem>>) {add = true}
        %dma_wait3A_30 = arith.constant 0 : i32
        %dma_wait3A_31 = tpu.memref_slice %arg8[%scan3A_13, %dma_wait3A_30] : memref<79x128xi32, #tpu.memory_space<vmem>> -> memref<1x128xi32, #tpu.memory_space<vmem>>
        %dma_wait3A_32 = tpu.memref_squeeze %dma_wait3A_31 : memref<1x128xi32, #tpu.memory_space<vmem>> -> memref<128xi32, #tpu.memory_space<vmem>>
        %dma_wait3A_33 = arith.constant 0 : i32
        %dma_wait3A_34 = arith.constant 0 : i32
        %dma_wait3A_35 = tpu.memref_slice %arg10[%dma_wait3A_33, %dma_wait3A_34] : memref<10240x128xf32, #tpu.memory_space<vmem_shared>> -> memref<10240x128xf32, #tpu.memory_space<vmem_shared>>
        tpu.wait_indirect_dma semaphore(%run_scoped3A : memref<!tpu.dma_semaphore, #tpu.memory_space<semaphore_mem>>) src(%arg9 : memref<128x128xf32, #tpu.memory_space<vmem>>) dst(%dma_wait3A_35 : memref<10240x128xf32, #tpu.memory_space<vmem_shared>>)
        tpu.yield
      }) : () -> ()
    }
    %scan3A_7 = arith.constant 79 : i32
    %barrier3A_8 = arith.constant 0 : index
    tpu.barrier barrier_id(%barrier3A_8)
    %mul3A_9 = arith.constant 640 : i32
    %mul3A_10 = arith.muli %arg1, %mul3A_9 : i32
    %mul3A_11 = arith.constant 640 : i32
    %mul3A_12 = arith.muli %arg1, %mul3A_11 : i32
    "tpu.region"() ({
      %run_scoped3A = tpu.sem_alloc : memref<!tpu.dma_semaphore, #tpu.memory_space<semaphore_mem>>
      %dma_start3A = arith.constant 0 : i32
      %dma_start3A_13 = tpu.memref_slice %arg6[%arg0, %mul3A_12, %dma_start3A] : memref<2x10240x128xf32, #tpu.memory_space<hbm>> -> memref<1x640x128xf32, #tpu.memory_space<hbm>>
      %dma_start3A_14 = tpu.memref_squeeze %dma_start3A_13 : memref<1x640x128xf32, #tpu.memory_space<hbm>> -> memref<640x128xf32, #tpu.memory_space<hbm>>
      %dma_start3A_15 = arith.constant 0 : i32
      %dma_start3A_16 = tpu.memref_slice %arg10[%mul3A_10, %dma_start3A_15] : memref<10240x128xf32, #tpu.memory_space<vmem_shared>> -> memref<640x128xf32, #tpu.memory_space<vmem_shared>>
      tpu.enqueue_dma source(%dma_start3A_16 : memref<640x128xf32, #tpu.memory_space<vmem_shared>>) target(%dma_start3A_14 : memref<640x128xf32, #tpu.memory_space<hbm>>) target_semaphore(%run_scoped3A : memref<!tpu.dma_semaphore, #tpu.memory_space<semaphore_mem>>)
      %dma_wait3A = arith.constant 0 : i32
      %dma_wait3A_17 = tpu.memref_slice %arg6[%arg0, %mul3A_12, %dma_wait3A] : memref<2x10240x128xf32, #tpu.memory_space<hbm>> -> memref<1x640x128xf32, #tpu.memory_space<hbm>>
      %dma_wait3A_18 = tpu.memref_squeeze %dma_wait3A_17 : memref<1x640x128xf32, #tpu.memory_space<hbm>> -> memref<640x128xf32, #tpu.memory_space<hbm>>
      %dma_wait3A_19 = arith.constant 0 : i32
      %dma_wait3A_20 = tpu.memref_slice %arg10[%mul3A_10, %dma_wait3A_19] : memref<10240x128xf32, #tpu.memory_space<vmem_shared>> -> memref<640x128xf32, #tpu.memory_space<vmem_shared>>
      tpu.wait_dma2 semaphore(%run_scoped3A : memref<!tpu.dma_semaphore, #tpu.memory_space<semaphore_mem>>) src(%dma_wait3A_20 : memref<640x128xf32, #tpu.memory_space<vmem_shared>>) dst(%dma_wait3A_18 : memref<640x128xf32, #tpu.memory_space<hbm>>)
      tpu.yield
    }) : () -> ()
    return
  }
}

module attributes {stable_mosaic.version = 14 : i64} {
  func.func @_tc_pre_body(%arg0: memref<10000x128xf32, #tpu.memory_space<vmem>>, %arg1: memref<128x128xf32, #tpu.memory_space<vmem>>, %arg2: memref<2x10240x128xf32, #tpu.memory_space<vmem>>, %arg3: memref<10000x128xf32, #tpu.memory_space<vmem>>, %arg4: memref<10000x1xf32, #tpu.memory_space<vmem>>) attributes {dimension_semantics = [], scalar_prefetch = 0 : i64, scratch_operands = 0 : i64, tpu.core_type = #tpu.core_type<tc>} {
    %get3A = arith.constant 0 : index
    %get3A_0 = arith.constant 0 : index
    %get3A_1 = arith.constant 0 : index
    %get3A_2 = vector.load %arg2[%get3A, %get3A_0, %get3A_1] : memref<2x10240x128xf32, #tpu.memory_space<vmem>>, vector<1x10240x1xf32>
    %get3A_3 = vector.shape_cast %get3A_2 : vector<1x10240x1xf32> to vector<10240x1xf32>
    %get3A_4 = arith.constant 1 : index
    %get3A_5 = arith.constant 0 : index
    %get3A_6 = arith.constant 0 : index
    %get3A_7 = vector.load %arg2[%get3A_4, %get3A_5, %get3A_6] : memref<2x10240x128xf32, #tpu.memory_space<vmem>>, vector<1x10240x1xf32>
    %get3A_8 = vector.shape_cast %get3A_7 : vector<1x10240x1xf32> to vector<10240x1xf32>
    %add3A = arith.addf %get3A_3, %get3A_8 : vector<10240x1xf32>
    %add3A_9 = arith.constant 1.000000e+00 : f32
    %add3A_10 = vector.broadcast %add3A_9 : f32 to vector<10240x1xf32>
    %add3A_11 = arith.addf %add3A, %add3A_10 : vector<10240x1xf32>
    %rsqrt3A = math.rsqrt %add3A_11 : vector<10240x1xf32>
    %slice3A = vector.extract_strided_slice %rsqrt3A {offsets = [0, 0], sizes = [10000, 1], strides = [1, 1]} : vector<10240x1xf32> to vector<10000x1xf32>
    %swap3A = arith.constant 0 : index
    %swap3A_12 = arith.constant 0 : index
    %swap3A_13 = vector.load %arg4[%swap3A, %swap3A_12] : memref<10000x1xf32, #tpu.memory_space<vmem>>, vector<10000x1xf32>
    tpu.vector_store %arg4[%swap3A, %swap3A_12], %slice3A {strides = array<i32>} : memref<10000x1xf32, #tpu.memory_space<vmem>>, vector<10000x1xf32>,
    %get3A_14 = arith.constant 0 : index
    %get3A_15 = arith.constant 0 : index
    %get3A_16 = vector.load %arg0[%get3A_14, %get3A_15] : memref<10000x128xf32, #tpu.memory_space<vmem>>, vector<10000x128xf32>
    %get3A_17 = arith.constant 0 : index
    %get3A_18 = arith.constant 0 : index
    %get3A_19 = vector.load %arg1[%get3A_17, %get3A_18] : memref<128x128xf32, #tpu.memory_space<vmem>>, vector<128x128xf32>
    %dot_general3A = arith.constant dense<0.000000e+00> : vector<10000x128xf32>
    %dot_general3A_20 = tpu.matmul %get3A_16, %get3A_19, %dot_general3A {dimension_numbers = #tpu.dot_dimension_numbers<[1], [0], [0], [1], [0, 0, 1, 1], [], []>, transpose_lhs_hint = false} : vector<10000x128xf32>, vector<128x128xf32>, vector<10000x128xf32> -> vector<10000x128xf32>
    %mul3A = vector.broadcast %slice3A : vector<10000x1xf32> to vector<10000x128xf32>
    %mul3A_21 = arith.mulf %dot_general3A_20, %mul3A : vector<10000x128xf32>
    %swap3A_22 = arith.constant 0 : index
    %swap3A_23 = arith.constant 0 : index
    %swap3A_24 = vector.load %arg3[%swap3A_22, %swap3A_23] : memref<10000x128xf32, #tpu.memory_space<vmem>>, vector<10000x128xf32>
    tpu.vector_store %arg3[%swap3A_22, %swap3A_23], %mul3A_21 {strides = array<i32>} : memref<10000x128xf32, #tpu.memory_space<vmem>>, vector<10000x128xf32>,
    return
  }
}

module attributes {stable_mosaic.version = 14 : i64} {
  func.func @_tc_mid_body(%arg0: memref<2x10240x128xf32, #tpu.memory_space<vmem>>, %arg1: memref<10000x128xf32, #tpu.memory_space<vmem>>, %arg2: memref<10000x1xf32, #tpu.memory_space<vmem>>, %arg3: memref<1x128xf32, #tpu.memory_space<vmem>>, %arg4: memref<128x128xf32, #tpu.memory_space<vmem>>, %arg5: memref<10000x128xf32, #tpu.memory_space<vmem>>) attributes {dimension_semantics = [], scalar_prefetch = 0 : i64, scratch_operands = 0 : i64, tpu.core_type = #tpu.core_type<tc>} {
    %get3A = arith.constant 0 : index
    %get3A_0 = arith.constant 0 : index
    %get3A_1 = arith.constant 0 : index
    %get3A_2 = vector.load %arg0[%get3A, %get3A_0, %get3A_1] : memref<2x10240x128xf32, #tpu.memory_space<vmem>>, vector<1x10000x128xf32>
    %get3A_3 = vector.shape_cast %get3A_2 : vector<1x10000x128xf32> to vector<10000x128xf32>
    %get3A_4 = arith.constant 1 : index
    %get3A_5 = arith.constant 0 : index
    %get3A_6 = arith.constant 0 : index
    %get3A_7 = vector.load %arg0[%get3A_4, %get3A_5, %get3A_6] : memref<2x10240x128xf32, #tpu.memory_space<vmem>>, vector<1x10000x128xf32>
    %get3A_8 = vector.shape_cast %get3A_7 : vector<1x10000x128xf32> to vector<10000x128xf32>
    %add3A = arith.addf %get3A_3, %get3A_8 : vector<10000x128xf32>
    %get3A_9 = arith.constant 0 : index
    %get3A_10 = arith.constant 0 : index
    %get3A_11 = vector.load %arg1[%get3A_9, %get3A_10] : memref<10000x128xf32, #tpu.memory_space<vmem>>, vector<10000x128xf32>
    %add3A_12 = arith.addf %add3A, %get3A_11 : vector<10000x128xf32>
    %get3A_13 = arith.constant 0 : index
    %get3A_14 = arith.constant 0 : index
    %get3A_15 = vector.load %arg2[%get3A_13, %get3A_14] : memref<10000x1xf32, #tpu.memory_space<vmem>>, vector<10000x1xf32>
    %mul3A = vector.broadcast %get3A_15 : vector<10000x1xf32> to vector<10000x128xf32>
    %mul3A_16 = arith.mulf %add3A_12, %mul3A : vector<10000x128xf32>
    %get3A_17 = arith.constant 0 : index
    %get3A_18 = arith.constant 0 : index
    %get3A_19 = vector.load %arg3[%get3A_17, %get3A_18] : memref<1x128xf32, #tpu.memory_space<vmem>>, vector<1x128xf32>
    %add3A_20 = vector.broadcast %get3A_19 : vector<1x128xf32> to vector<10000x128xf32>
    %add3A_21 = arith.addf %mul3A_16, %add3A_20 : vector<10000x128xf32>
    %max3A = arith.constant 0.000000e+00 : f32
    %max3A_22 = vector.broadcast %max3A : f32 to vector<10000x128xf32>
    %max3A_23 = arith.maximumf %add3A_21, %max3A_22 : vector<10000x128xf32>
    %get3A_24 = arith.constant 0 : index
    %get3A_25 = arith.constant 0 : index
    %get3A_26 = vector.load %arg4[%get3A_24, %get3A_25] : memref<128x128xf32, #tpu.memory_space<vmem>>, vector<128x128xf32>
    %dot_general3A = arith.constant dense<0.000000e+00> : vector<10000x128xf32>
    %dot_general3A_27 = tpu.matmul %max3A_23, %get3A_26, %dot_general3A {dimension_numbers = #tpu.dot_dimension_numbers<[1], [0], [0], [1], [0, 0, 1, 1], [], []>, transpose_lhs_hint = false} : vector<10000x128xf32>, vector<128x128xf32>, vector<10000x128xf32> -> vector<10000x128xf32>
    %get3A_28 = arith.constant 0 : index
    %get3A_29 = arith.constant 0 : index
    %get3A_30 = vector.load %arg2[%get3A_28, %get3A_29] : memref<10000x1xf32, #tpu.memory_space<vmem>>, vector<10000x1xf32>
    %mul3A_31 = vector.broadcast %get3A_30 : vector<10000x1xf32> to vector<10000x128xf32>
    %mul3A_32 = arith.mulf %dot_general3A_27, %mul3A_31 : vector<10000x128xf32>
    %swap3A = arith.constant 0 : index
    %swap3A_33 = arith.constant 0 : index
    %swap3A_34 = vector.load %arg5[%swap3A, %swap3A_33] : memref<10000x128xf32, #tpu.memory_space<vmem>>, vector<10000x128xf32>
    tpu.vector_store %arg5[%swap3A, %swap3A_33], %mul3A_32 {strides = array<i32>} : memref<10000x128xf32, #tpu.memory_space<vmem>>, vector<10000x128xf32>,
    return
  }
}

module attributes {stable_mosaic.version = 14 : i64} {
  func.func @_tc_post_body(%arg0: memref<2x10240x128xf32, #tpu.memory_space<vmem>>, %arg1: memref<10000x128xf32, #tpu.memory_space<vmem>>, %arg2: memref<10000x1xf32, #tpu.memory_space<vmem>>, %arg3: memref<1x128xf32, #tpu.memory_space<vmem>>, %arg4: memref<10000x128xf32, #tpu.memory_space<vmem>>) attributes {dimension_semantics = [], scalar_prefetch = 0 : i64, scratch_operands = 0 : i64, tpu.core_type = #tpu.core_type<tc>} {
    %get3A = arith.constant 0 : index
    %get3A_0 = arith.constant 0 : index
    %get3A_1 = arith.constant 0 : index
    %get3A_2 = vector.load %arg0[%get3A, %get3A_0, %get3A_1] : memref<2x10240x128xf32, #tpu.memory_space<vmem>>, vector<1x10000x128xf32>
    %get3A_3 = vector.shape_cast %get3A_2 : vector<1x10000x128xf32> to vector<10000x128xf32>
    %get3A_4 = arith.constant 1 : index
    %get3A_5 = arith.constant 0 : index
    %get3A_6 = arith.constant 0 : index
    %get3A_7 = vector.load %arg0[%get3A_4, %get3A_5, %get3A_6] : memref<2x10240x128xf32, #tpu.memory_space<vmem>>, vector<1x10000x128xf32>
    %get3A_8 = vector.shape_cast %get3A_7 : vector<1x10000x128xf32> to vector<10000x128xf32>
    %add3A = arith.addf %get3A_3, %get3A_8 : vector<10000x128xf32>
    %get3A_9 = arith.constant 0 : index
    %get3A_10 = arith.constant 0 : index
    %get3A_11 = vector.load %arg1[%get3A_9, %get3A_10] : memref<10000x128xf32, #tpu.memory_space<vmem>>, vector<10000x128xf32>
    %add3A_12 = arith.addf %add3A, %get3A_11 : vector<10000x128xf32>
    %get3A_13 = arith.constant 0 : index
    %get3A_14 = arith.constant 0 : index
    %get3A_15 = vector.load %arg2[%get3A_13, %get3A_14] : memref<10000x1xf32, #tpu.memory_space<vmem>>, vector<10000x1xf32>
    %mul3A = vector.broadcast %get3A_15 : vector<10000x1xf32> to vector<10000x128xf32>
    %mul3A_16 = arith.mulf %add3A_12, %mul3A : vector<10000x128xf32>
    %get3A_17 = arith.constant 0 : index
    %get3A_18 = arith.constant 0 : index
    %get3A_19 = vector.load %arg3[%get3A_17, %get3A_18] : memref<1x128xf32, #tpu.memory_space<vmem>>, vector<1x128xf32>
    %add3A_20 = vector.broadcast %get3A_19 : vector<1x128xf32> to vector<10000x128xf32>
    %add3A_21 = arith.addf %mul3A_16, %add3A_20 : vector<10000x128xf32>
    %swap3A = arith.constant 0 : index
    %swap3A_22 = arith.constant 0 : index
    %swap3A_23 = vector.load %arg4[%swap3A, %swap3A_22] : memref<10000x128xf32, #tpu.memory_space<vmem>>, vector<10000x128xf32>
    tpu.vector_store %arg4[%swap3A, %swap3A_22], %add3A_21 {strides = array<i32>} : memref<10000x128xf32, #tpu.memory_space<vmem>>, vector<10000x128xf32>,
    return
  }
}

</mosaic_0001>

<sc_bundles>
// kernel: _run.11.cloned.1.call-start
scs
__scs_entry_jumppad:
0x0: {  	(pc) =	sbr.rel $0x88, $3  }
0x1: {  	(tag) =	ssettag $0x0;
	lr =	simm.s32 $0x1  }
0x2: {  	[smem:$0x3F9B] =	sst lr;
	_ =	strace $0xD0000000  }
0x3: {  	_ = 	snop  }
0x4: {  	_ = 	snop  }
0x5: {  	_ = 	snop  }
0x6: {  	_ = 	snop  }
0x7: {  	_ = 	snop  }
__scs_overlays_trampoline_lowered:
0x8: {  	[smem:$0x3FAA] =	sst s0  }
0x9: {  	[smem:$0x3FAB] =	sst s1  }
0xa: {  	[smem:$0x3FAC] =	sst s2  }
0xb: {  	[smem:$0x3FAD] =	sst s3  }
0xc: {  	[smem:$0x3FAE] =	sst s4  }
0xd: {  	[smem:$0x3FAF] =	sst s5  }
0xe: {  	[smem:$0x3FB0] =	sst s6  }
0xf: {  	[smem:$0x3FB1] =	sst s7  }
0x10: {  	[smem:$0x3FB2] =	sst s8  }
0x11: {  	[smem:$0x3FB3] =	sst s9;
	s0 =	simm.s32 @!p0 $0x0  }
0x12: {  	s1 =	sld [smem:$0x3F99];
	s0 =	simm.s32 @p0 $0x1  }
0x13: {  	[smem:$0x3FB4] =	sst s0;
	s0 =	simm.s32 @!p1 $0x0  }
0x14: {  	s2 =	sld [smem:$0x3F98];
	s0 =	simm.s32 @p1 $0x1  }
0x15: {  	[smem:$0x3FB5] =	sst s0;
	s0 =	simm.s32 @!p2 $0x0  }
0x16: {  	s3 =	sld [smem:$0x3FDB];
	s0 =	simm.s32 @p2 $0x1  }
0x17: {  	s4 =	simm.s32 $0x1BF5;
	[smem:$0x3FB7] =	sst s0  }
0x18: {  	s0 =	sld [smem:$0x3F9A];
	_ =	swait.ge [sflag:s4], $0x0  }
0x19: {  	s7 =	sld [smem:$0x3F9B]  }
0x1a: {  	s8 =	sadd.s32 $0xFFFFE003, lr  }
0x1b: {  	s9 =	sadd.s32 $0xFFFFFEF7, lr;
	s5 =	simm.s32 $0xFFFFFFFF;
	p2 =	slt.u32 s8, $0xFFFFF086  }
0x1c: {  	p1 =	slt.u32 s9, $0xF7A;
	s5 =	simm.s32 @!p2 $0x0  }
0x1d: {  	s5 =	simm.s32 @p1 $0x1;
	p0 =	seq.s32 s7, s2  }
0x1e: {  	s7 =	smul.u32 @!p0 $0xF7A, s2;
	p2 =	seq.s32 @!p0 s5, $0x0  }
0x1f: {  	s9 =	smul.u32 $0xF7A, s1;
	s8 =	simm.s32 @!p0 $0x1BF5;
	p2 =	por !p2, p0  }
0x20: {  	[sflag:s8] =	ssyncset.s32 @!p0 $0xFFFFF086;
	s6 =	sadd.s32 @!p0 s3, s7;
	s7 =	simm.s32 @!p0 $0x108  }
0x21: {  	s3 =	sadd.s32 s3, s9;
	s6 =	sadd.s32 @!p0 $0x88, s6;
	s7 =	simm.s32 @p2 $0x1082  }
0x22: {  	[simem:s7], [sflag:s8] =	dma.local @!p0 [hbm:s6], $0xF7A  }
0x23: {  	s9 =	sor.u32 $0xD0000000, s2;
	s6 =	simm.s32 $0x108;
	_ =	swait.ge @!p0 [sflag:s8], $0x0  }
0x24: {  	s3 =	sadd.s32 $0x88, s3;
	s6 =	simm.s32 @!p1 $0x1082;
	[sflag:s4] =	ssyncset.s32 $0xFFFFF086  }
0x25: {  	[simem:s6], [sflag:s4] =	dma.local [hbm:s3], $0xF7A  }
0x26: {  	[smem:$0x3F9B] =	sst s1;
	(tag) =	ssettag s2;
	_ =	strace s9  }
0x27: {  	s1 =	sld [smem:$0x3FAB]  }
0x28: {  	s2 =	sld [smem:$0x3FAC]  }
0x29: {  	s4 =	sld [smem:$0x3FAE]  }
0x2a: {  	p0 =	seq.s32 s5, $0x0;
	s5 =	sld [smem:$0x3FAF]  }
0x2b: {  	s6 =	sld [smem:$0x3FB0]  }
0x2c: {  	s7 =	sld [smem:$0x3FB1]  }
0x2d: {  	s3 =	simm.s32 $0x108;
	s8 =	sld [smem:$0x3FB2]  }
0x2e: {  	s3 =	simm.s32 @!p0 $0x1082;
	s9 =	sld [smem:$0x3FB3]  }
0x2f: {  	lr =	sadd.s32 s0, s3;
	s0 =	sld [smem:$0x3FAA]  }
0x30: {  	s3 =	sld [smem:$0x3FAD]  }
0x31: {  	[smem:$0x3FB6] =	sst s10  }
0x32: {  	s10 =	sld [smem:$0x3FB4];
	_ =	sdelay $0x3  }
0x33: {  	p0 =	seq.s32 s10, $0x1;
	s10 =	sld [smem:$0x3FB6];
	_ =	sdelay $0x3  }
0x34: {  	[smem:$0x3FB6] =	sst s10  }
0x35: {  	s10 =	sld [smem:$0x3FB5];
	_ =	sdelay $0x3  }
0x36: {  	p1 =	seq.s32 s10, $0x1;
	s10 =	sld [smem:$0x3FB6];
	_ =	sdelay $0x3  }
0x37: {  	[smem:$0x3FB6] =	sst s10  }
0x38: {  	s10 =	sld [smem:$0x3FB7]  }
0x39: {  	_ = 	snop;
	(pc) =	sbr.ind lr, $3  }
0x3a: {  	_ = 	snop  }
0x3b: {  	_ = 	snop  }
0x3c: {  	p2 =	seq.s32 s10, $0x1;
	s10 =	sld [smem:$0x3FB6]  }
0x3d: {  	_ =	shalt  }
0x3e: {  	_ =	shalt  }
0x3f: {  	_ =	shalt  }
0x40: {  	_ =	shalt  }
0x41: {  	_ =	shalt  }
0x42: {  	_ =	shalt  }
0x43: {  	_ =	shalt  }
0x44: {  	_ =	shalt  }
0x45: {  	_ =	shalt  }
0x46: {  	_ =	shalt  }
0x47: {  	_ =	shalt  }
0x48: {  	_ =	shalt  }
0x49: {  	_ =	shalt  }
0x4a: {  	_ =	shalt  }
0x4b: {  	_ =	shalt  }
0x4c: {  	_ =	shalt  }
0x4d: {  	_ =	shalt  }
0x4e: {  	_ =	shalt  }
0x4f: {  	_ =	shalt  }
0x50: {  	_ =	shalt  }
0x51: {  	_ =	shalt  }
0x52: {  	_ =	shalt  }
0x53: {  	_ =	shalt  }
0x54: {  	_ =	shalt  }
0x55: {  	_ =	shalt  }
0x56: {  	_ =	shalt  }
0x57: {  	_ =	shalt  }
0x58: {  	_ =	shalt  }
0x59: {  	_ =	shalt  }
0x5a: {  	_ =	shalt  }
0x5b: {  	_ =	shalt  }
0x5c: {  	_ =	shalt  }
0x5d: {  	_ =	shalt  }
0x5e: {  	_ =	shalt  }
0x5f: {  	_ =	shalt  }
0x60: {  	_ =	shalt  }
0x61: {  	_ =	shalt  }
0x62: {  	_ =	shalt  }
0x63: {  	_ =	shalt  }
0x64: {  	_ =	shalt  }
0x65: {  	_ =	shalt  }
0x66: {  	_ =	shalt  }
0x67: {  	_ =	shalt  }
0x68: {  	_ =	shalt  }
0x69: {  	_ =	shalt  }
0x6a: {  	_ =	shalt  }
0x6b: {  	_ =	shalt  }
0x6c: {  	_ =	shalt  }
0x6d: {  	_ =	shalt  }
0x6e: {  	_ =	shalt  }
0x6f: {  	_ =	shalt  }
0x70: {  	_ =	shalt  }
0x71: {  	_ =	shalt  }
0x72: {  	_ =	shalt  }
0x73: {  	_ =	shalt  }
0x74: {  	_ =	shalt  }
0x75: {  	_ =	shalt  }
0x76: {  	_ =	shalt  }
0x77: {  	_ =	shalt  }
0x78: {  	_ =	shalt  }
0x79: {  	_ =	shalt  }
0x7a: {  	_ =	shalt  }
0x7b: {  	_ =	shalt  }
0x7c: {  	_ =	shalt  }
0x7d: {  	_ =	shalt  }
0x7e: {  	_ =	shalt  }
0x7f: {  	_ =	shalt  }
0x80: {  	_ =	shalt  }
0x81: {  	_ =	shalt  }
0x82: {  	_ =	shalt  }
0x83: {  	_ =	shalt  }
0x84: {  	_ =	shalt  }
0x85: {  	_ =	shalt  }
0x86: {  	_ =	shalt  }
0x87: {  	_ =	shalt  }
.Lfunc_end0:
.L_simem_size_0:
called_computation.1_lowered:
.L_overlay_start_0:
0x88: {  	s2 =	sld [smem:$0x3FD9]  }
0x89: {  	s3 =	sld [smem:$0x3FFE];
	_ =	sdelay $0x1  }
0x8a: {  	s1 =	srdreg.scid  }
0x8b: {  	s0 =	sand.u32 $0x1, s1  }
0x8c: {  	s17 =	sshll.u32 s0, $0xA;
	s2 =	sadd.s32 s3, s2  }
0x8d: {  	s2 =	sadd.s32 s2, s17  }
0x8e: {  	[smem:$0x3FC2] =	sst s2  }
0x8f: {  	_ = 	snop  }
0x90: {  	s2 =	sld [smem:$0x3FD0];
	(tm) =	ssettm $0x1  }
0x91: {  	s18 =	sld [smem:$0x3FFB];
	_ =	sdelay $0x3  }
0x92: {  	_ =	strace s18  }
0x93: {  	s3 =	sld [smem:$0x3FFC];
	_ =	sdelay $0x3  }
0x94: {  	_ =	strace s3  }
0x95: {  	s3 =	sld [smem:$0x3FFD];
	_ =	sdelay $0x3  }
0x96: {  	_ =	strace s3  }
0x97: {  	_ =	strace $0x8FFFFFFF  }
0x98: {  	s19 =	sld [smem:$0x3FDB];
	_ =	sdelay $0x1  }
0x99: {  	s4 =	simm.s32 $_scs_section_size  }
0x9a: {  	s5 =	simm.s32 $_size__tile_overlayer_lowered;
	s6 =	simm.s32 $_tile_overlayer_lowered  }
0x9b: {  	s22 =	simm.s32 $0x1BFF;
	s21 =	sshll.u32 s6, $0x1;
	s3 =	sadd.s32 s4, s19  }
0x9c: {  	s7 =	simm.s32 $0x0;
	s20 =	sshll.u32 s5, $0x1;
	s5 =	sadd.s32 s21, s3  }
0x9d: {  	[timem:s7], [sflag:s22] =	dma.local [hbm:s5], s20  }
0x9e: {  	_ =	swait.ge [sflag:s22], s20  }
0x9f: {  	s4 =	ssub.s32 $0x0, s20;
	[sflag:s22] =	ssyncset.done $0x0  }
0xa0: {  	[sflag:s22] =	ssyncadd.s32 s4;
	_ =	sdelay $0x1  }
0xa1: {  	s23 =	simm.s32 $0x1B8B  }
0xa2: {  	_ =	swait.ge [sflag:s23], $0x1  }
0xa3: {  	[sflag:s23] =	ssyncset.done $0x0  }
0xa4: {  	s25 =	simm.s32 $0x1B8E;
	s24 =	sld [smem:$0x3FFE];
	[sflag:s23] =	ssyncadd.s32 $0xFFFFFFFF  }
0xa5: {  	s26 =	simm.s32 $execute0_lowered;
	[smem:$0x3FD2] =	sst s25  }
0xa6: {  	s5 =	sshll.u32 s26, $0x1;
	_ =	strace $0x80000049;
	[dreg:$0x1] =	wrdreg $0xFFFFFFFF  }
0xa7: {  	s28 =	simm.s32 $_size_execute0_lowered;
	s3 =	sadd.s32 s3, s5;
	[dreg:$0x0] =	wrdreg $0x0  }
0xa8: {  	s5 =	sshll.u32 s28, $0x1;
	[dreg:$0x2] =	wrdreg s3  }
0xa9: {  	[dreg:$0x3] =	wrdreg s5  }
0xaa: {  	[dreg:$0x4] =	wrdreg $0xC0  }
0xab: {  	_ =	task [dreg:s7], $0x5FFFF  }
0xac: {  	[dreg:$0x1] =	wrdreg $0xFFFFFFFF  }
0xad: {  	[dreg:$0x0] =	wrdreg $0x60  }
0xae: {  	[dreg:$0x2] =	wrdreg s2  }
0xaf: {  	[dreg:$0x3] =	wrdreg s24  }
0xb0: {  	[dreg:$0x4] =	wrdreg $0x90000  }
0xb1: {  	[dreg:$0x5] =	wrdreg $0x9  }
0xb2: {  	_ =	task.clear_ibuf [dreg:s7], $0x6FFFF;
	_ =	strace $0x90000049  }
0xb3: {  	s29 =	simm.s32 $0x9;
	_ =	strace $0x8000004B  }
0xb4: {  	_ =	swait.ge [sflag:s29], $0x1  }
0xb5: {  	[sflag:s29] =	ssyncadd.s32 $0xFFFFFFFF  }
0xb6: {  	_ =	strace $0x9000004B  }
0xb7: {  	_ =	sfence  }
0xb8: {  	s30 =	sld [smem:$0x0];
	_ =	sdelay $0x2  }
0xb9: {  	s31 =	sshll.u32 s1, $0xD;
	s1 =	sshrl.u32 s1, $0x2  }
0xba: {  	s3 =	sand.u32 $0x4000, s31;
	s1 =	sadd.s32 s1, s30  }
0xbb: {  	s0 =	sor.u32 s3, s0;
	s1 =	sshll.u32 s1, $0x11  }
0xbc: {  	s0 =	sor.u32 s1, s0  }
0xbd: {  	s0 =	sadd.s32 $0x8F2B, s0  }
0xbe: {  	[sflag:s0] =	ssyncadd.remote.s32 $0x1  }
0xbf: {  	_ =	sfence.sel $0xFFFF  }
0xc0: {  	[dreg:$0x0] =	wrdreg $0xFFFFFFFF;
	(pc) =	sbr.abs _section_cstart, $3  }
0xc1: {  	[dreg:$0x1] =	wrdreg $0xFFFFFFFF  }
0xc2: {  	_ =	task.clear_ibuf [dreg:s7], $0x2FFFF;
	_ =	strace $0x9FFFFFFF  }
0xc3: {  	(tm) =	ssettm $0x7FFFFFFF  }
tec
execute0_lowered:
.L_overlay_start_1:
0x0: {  	(tag) =	ssettag $0x1  }
0x1: {  	s1 =	rddreg [dreg:$0x0]  }
0x2: {  	s2 =	srdreg.scid;
	s7 =	rddreg [dreg:$0x1]  }
0x3: {  	s0 =	stileid.u32;
	s3 =	rddreg [dreg:$0x2];
	s4 =	simm.s32 $0x0  }
0x4: {  	s14 =	simm.s32 $0x80;
	s15 =	simm.s32 $0x5000;
	s16 =	simm.s32 $0x1  }
0x5: {  	s17 =	simm.s32 $0x0;
	s6 =	sand.u32 $0x1, s2;
	s9 =	smul.u32 $0x14000, s0  }
0x6: {  	s26 =	sshll.u32 s0, $0x1;
	[smem:$0x7FF] =	sst s4;
	s28 =	smul.u32 $0x50000, s0  }
0x7: {  	s31 =	sshll.u32 s0, $0x6;
	s2 =	sor.u32 s6, s26;
	s8 =	smul.u32 $0x140000, s6  }
0x8: {  	s6 =	ssub.s32 $0x2, s6;
	s5 =	smul.u32 $0x500, s2;
	s2 =	rddreg [dreg:$0x3]  }
0x9: {  	_ =	strace $0x8000004A;
	s29 =	sshrl.u32 s6, $0x1;
	s30 =	sshrl.u32 s28, $0x2  }
0xa: {  	s8 =	sadd.s32 s9, s8;
	s12 =	ssub.s32 s6, s29;
	s13 =	sadd.s32 s30, s3  }
0xb: {  	s6 =	sor.u32 $0x1C02, s31;
	s10 =	sadd.s32 s5, s7;
	s8 =	sshrl.u32 s8, $0x3  }
0xc: {  	s5 =	sadd.s32 $0xC600, s7;
	s11 =	sadd.s32 s8, s7;
	s7 =	sadd.s32 $0x5EE00, s10  }
0xd: {  	s8 =	sadd.s32 $0x2600, s10;
	s10 =	smax.u32 s12, $0x1;
	s12 =	simm.s32 $0x2  }
0xe: {  	s9 =	sadd.s32 $0xEE00, s11;
	s11 =	sshrl.u32 s13, $0x3;
	s13 =	simm.s32 $0x2800  }
.LBB2_1:
0xf: {  	[spmem:s11], [sflag:s6] =	dma.local [hbm:s5], $0x2800  }
0x10: {  	_ =	swait.ge [sflag:s12], $0x2800  }
0x11: {  	[sflag:s12] =	ssyncset.done $0x0  }
0x12: {  	[sflag:s12] =	ssyncadd.s32 $0xFFFFD800  }
0x13: {  	[tilespmem:s4], [sflag:$0x2] =	stream.linear.gather [hbm4b:s7+s4], $0x2780, $0x38;
	[tilespmem:$0x1D000] =	vst v63  }
0x14: {  	_ =	swait.ge [sflag:s12], $0x2780  }
0x15: {  	[sflag:s12] =	ssyncset.done $0x0  }
0x16: {  	[sflag:s12] =	ssyncadd.s32 $0xFFFFD880  }
0x17: {  	[tilespmem:s13], [sflag:$0x2] =	stream.linear.gather [hbm4b:s8+s4], $0x2780, $0x38;
	[tilespmem:$0x1D000] =	vst v63  }
0x18: {  	_ =	swait.ge [sflag:s12], $0x2780  }
0x19: {  	[sflag:s12] =	ssyncset.done $0x0  }
0x1a: {  	[sflag:s12] =	ssyncadd.s32 $0xFFFFD880  }
0x1b: {  	s18 =	simm.s32 $0x0;
	[bflag:$0x0] =	sbarrier.arrive $0xFFFF  }
0x1c: {  	[tilespmem:s15], [sflag:$0x1] =	stream.indirect.gather [hbm4b:s1+s14], $0x80, s18, s14, $0xb8;
	[tilespmem:$0x1D000] =	vst v63  }
0x1d: {  	_ =	swait.ge [sflag:s16], $0x4000  }
0x1e: {  	[sflag:s16] =	ssyncset.done $0x0  }
0x1f: {  	s31 =	simm.s32 $0x2800;
	[sflag:s16] =	ssyncadd.s32 $0xFFFFC000  }
0x20: {  	[spmem:s3] =	stream.indirect.scatter.add.f32 [tilespmem:s15], [sflag:$0x2], $0x80, s31, s14, $0xb8;
	[tilespmem:$0x1D000] =	vst v63  }
0x21: {  	_ =	swait.ge [sflag:s12], $0x4000  }
0x22: {  	s19 =	simm.s32 $0x400;
	s18 =	simm.s32 $0x200;
	[sflag:s12] =	ssyncset.done $0x0  }
.LBB2_2:
0x23: {  	s20 =	sshra.s32 s18, $0x2  }
0x24: {  	[sflag:s12] =	ssyncadd.s32 $0xFFFFC000;
	s18 =	smov.u32 s19;
	s21 =	sadd.s32 $0x200, s19  }
0x25: {  	[tilespmem:s15], [sflag:$0x1] =	stream.indirect.gather [hbm4b:s1+s14], $0x80, s20, s14, $0xb8;
	[tilespmem:$0x1D000] =	vst v63  }
0x26: {  	p0 =	sne.s32 s19, $0x9C00;
	_ =	swait.ge [sflag:s16], $0x4000  }
.Ltmp0:
0x27: {  	[sflag:s16] =	ssyncset.done $0x0;
	(pc) =	sbr.rel @p0 .LBB2_2-.Ltmp0, $4  }
0x28: {  	s19 =	sadd.s32 $0x2800, s20;
	[sflag:s16] =	ssyncadd.s32 $0xFFFFC000  }
0x29: {  	[spmem:s3] =	stream.indirect.scatter.add.f32 [tilespmem:s15], [sflag:$0x2], $0x80, s19, s14, $0xb8;
	[tilespmem:$0x1D000] =	vst v63  }
0x2a: {  	_ =	swait.ge [sflag:s12], $0x4000  }
0x2b: {  	s19 =	smov.u32 s21;
	[sflag:s12] =	ssyncset.done $0x0  }
0x2c: {  	s18 =	sshra.s32 s18, $0x2;
	[sflag:s12] =	ssyncadd.s32 $0xFFFFC000  }
0x2d: {  	[tilespmem:s15], [sflag:$0x1] =	stream.indirect.gather [hbm4b:s1+s14], $0x80, s18, s14, $0xb8;
	[tilespmem:$0x1D000] =	vst v63  }
0x2e: {  	_ =	swait.ge [sflag:s16], $0x4000  }
0x2f: {  	[sflag:s16] =	ssyncset.done $0x0  }
0x30: {  	s18 =	sadd.s32 $0x2800, s18;
	[sflag:s16] =	ssyncadd.s32 $0xFFFFC000  }
0x31: {  	[spmem:s3] =	stream.indirect.scatter.add.f32 [tilespmem:s15], [sflag:$0x2], $0x80, s18, s14, $0xb8;
	[tilespmem:$0x1D000] =	vst v63  }
0x32: {  	_ =	swait.ge [sflag:s12], $0x4000  }
0x33: {  	s17 =	sadd.s32 $0x1, s17;
	[sflag:s12] =	ssyncset.done $0x0  }
0x34: {  	p0 =	sne.s32 s17, s10;
	[sflag:s12] =	ssyncadd.s32 $0xFFFFC000  }
.Ltmp1:
0x35: {  	[bflag:$0x0] =	sbarrier.arrive $0xFFFF;
	(pc) =	sbr.rel @p0 .LBB2_1-.Ltmp1, $4  }
0x36: {  	[hbm:s9], [sflag:s6] =	dma.local [spmem:s11], $0x2800  }
0x37: {  	_ =	swait.ge [sflag:s12], $0x2800  }
0x38: {  	[sflag:s12] =	ssyncset.done $0x0  }
0x39: {  	[sflag:s12] =	ssyncadd.s32 $0xFFFFD800  }
0x3a: {  	_ =	sfence.sel $0x180000  }
0x3b: {  	[bflag:$0x0] =	sbarrier.arrive $0xFFFF  }
0x3c: {  	p0 =	sne.s32 s0, $0x0;
	_ =	strace $0x9000004A  }
0x3d: {  	s0 =	sadd.s32 @!p0 $0x100000, s2;
	[bflag:$0x2] =	sbarrier.arrive $0xFFFF  }
0x3e: {  	[sflag:s0] =	ssyncadd.tile.s32 @!p0 $0x1;
	_ =	shalt  }
.Lfunc_end2:
_tile_overlayer_lowered:
.L_overlay_start_2:
0x3f: {  	(tag) =	ssettag $0x2  }
0x40: {  	s0 =	rddreg [dreg:$0x0];
	s2 =	stileid.u32  }
0x41: {  	s1 =	rddreg [dreg:$0x1];
	p0 =	sne.s32 s2, $0x0  }
0x42: {  	s3 =	rddreg [dreg:$0x2];
	[bflag:$0x3] =	sbarrier.arrive $0xFFFF;
	s2 =	simm.s32 @!p0 $0x1C02  }
0x43: {  	[timem:s3], [sflag:s2] =	dma.local @!p0 [hbm:s0], s1  }
0x44: {  	s0 =	simm.s32 @!p0 $0x2  }
0x45: {  	_ =	swait.ge @!p0 [sflag:s0], s1  }
0x46: {  	s1 =	ssub.s32 @!p0 $0x0, s1;
	[sflag:s0] =	ssyncset.done @!p0 $0x0  }
0x47: {  	[sflag:s0] =	ssyncadd.s32 @!p0 s1  }
0x48: {  	[bflag:$0x3] =	sbarrier.arrive $0xFFFF  }
0x49: {  	_ =	shalt  }

// kernel: _run.14.cloned.1.call-start
scs
__scs_entry_jumppad:
0x0: {  	(pc) =	sbr.rel $0x88, $3  }
0x1: {  	(tag) =	ssettag $0x0;
	lr =	simm.s32 $0x1  }
0x2: {  	[smem:$0x3F9B] =	sst lr;
	_ =	strace $0xD0000000  }
0x3: {  	_ = 	snop  }
0x4: {  	_ = 	snop  }
0x5: {  	_ = 	snop  }
0x6: {  	_ = 	snop  }
0x7: {  	_ = 	snop  }
__scs_overlays_trampoline_lowered:
0x8: {  	[smem:$0x3FAA] =	sst s0  }
0x9: {  	[smem:$0x3FAB] =	sst s1  }
0xa: {  	[smem:$0x3FAC] =	sst s2  }
0xb: {  	[smem:$0x3FAD] =	sst s3  }
0xc: {  	[smem:$0x3FAE] =	sst s4  }
0xd: {  	[smem:$0x3FAF] =	sst s5  }
0xe: {  	[smem:$0x3FB0] =	sst s6  }
0xf: {  	[smem:$0x3FB1] =	sst s7  }
0x10: {  	[smem:$0x3FB2] =	sst s8  }
0x11: {  	[smem:$0x3FB3] =	sst s9;
	s0 =	simm.s32 @!p0 $0x0  }
0x12: {  	s1 =	sld [smem:$0x3F99];
	s0 =	simm.s32 @p0 $0x1  }
0x13: {  	[smem:$0x3FB4] =	sst s0;
	s0 =	simm.s32 @!p1 $0x0  }
0x14: {  	s2 =	sld [smem:$0x3F98];
	s0 =	simm.s32 @p1 $0x1  }
0x15: {  	[smem:$0x3FB5] =	sst s0;
	s0 =	simm.s32 @!p2 $0x0  }
0x16: {  	s3 =	sld [smem:$0x3FDB];
	s0 =	simm.s32 @p2 $0x1  }
0x17: {  	s4 =	simm.s32 $0x1BF5;
	[smem:$0x3FB7] =	sst s0  }
0x18: {  	s0 =	sld [smem:$0x3F9A];
	_ =	swait.ge [sflag:s4], $0x0  }
0x19: {  	s7 =	sld [smem:$0x3F9B]  }
0x1a: {  	s8 =	sadd.s32 $0xFFFFE003, lr  }
0x1b: {  	s9 =	sadd.s32 $0xFFFFFEF7, lr;
	s5 =	simm.s32 $0xFFFFFFFF;
	p2 =	slt.u32 s8, $0xFFFFF086  }
0x1c: {  	p1 =	slt.u32 s9, $0xF7A;
	s5 =	simm.s32 @!p2 $0x0  }
0x1d: {  	s5 =	simm.s32 @p1 $0x1;
	p0 =	seq.s32 s7, s2  }
0x1e: {  	s7 =	smul.u32 @!p0 $0xF7A, s2;
	p2 =	seq.s32 @!p0 s5, $0x0  }
0x1f: {  	s9 =	smul.u32 $0xF7A, s1;
	s8 =	simm.s32 @!p0 $0x1BF5;
	p2 =	por !p2, p0  }
0x20: {  	[sflag:s8] =	ssyncset.s32 @!p0 $0xFFFFF086;
	s6 =	sadd.s32 @!p0 s3, s7;
	s7 =	simm.s32 @!p0 $0x108  }
0x21: {  	s3 =	sadd.s32 s3, s9;
	s6 =	sadd.s32 @!p0 $0x88, s6;
	s7 =	simm.s32 @p2 $0x1082  }
0x22: {  	[simem:s7], [sflag:s8] =	dma.local @!p0 [hbm:s6], $0xF7A  }
0x23: {  	s9 =	sor.u32 $0xD0000000, s2;
	s6 =	simm.s32 $0x108;
	_ =	swait.ge @!p0 [sflag:s8], $0x0  }
0x24: {  	s3 =	sadd.s32 $0x88, s3;
	s6 =	simm.s32 @!p1 $0x1082;
	[sflag:s4] =	ssyncset.s32 $0xFFFFF086  }
0x25: {  	[simem:s6], [sflag:s4] =	dma.local [hbm:s3], $0xF7A  }
0x26: {  	[smem:$0x3F9B] =	sst s1;
	(tag) =	ssettag s2;
	_ =	strace s9  }
0x27: {  	s1 =	sld [smem:$0x3FAB]  }
0x28: {  	s2 =	sld [smem:$0x3FAC]  }
0x29: {  	s4 =	sld [smem:$0x3FAE]  }
0x2a: {  	p0 =	seq.s32 s5, $0x0;
	s5 =	sld [smem:$0x3FAF]  }
0x2b: {  	s6 =	sld [smem:$0x3FB0]  }
0x2c: {  	s7 =	sld [smem:$0x3FB1]  }
0x2d: {  	s3 =	simm.s32 $0x108;
	s8 =	sld [smem:$0x3FB2]  }
0x2e: {  	s3 =	simm.s32 @!p0 $0x1082;
	s9 =	sld [smem:$0x3FB3]  }
0x2f: {  	lr =	sadd.s32 s0, s3;
	s0 =	sld [smem:$0x3FAA]  }
0x30: {  	s3 =	sld [smem:$0x3FAD]  }
0x31: {  	[smem:$0x3FB6] =	sst s10  }
0x32: {  	s10 =	sld [smem:$0x3FB4];
	_ =	sdelay $0x3  }
0x33: {  	p0 =	seq.s32 s10, $0x1;
	s10 =	sld [smem:$0x3FB6];
	_ =	sdelay $0x3  }
0x34: {  	[smem:$0x3FB6] =	sst s10  }
0x35: {  	s10 =	sld [smem:$0x3FB5];
	_ =	sdelay $0x3  }
0x36: {  	p1 =	seq.s32 s10, $0x1;
	s10 =	sld [smem:$0x3FB6];
	_ =	sdelay $0x3  }
0x37: {  	[smem:$0x3FB6] =	sst s10  }
0x38: {  	s10 =	sld [smem:$0x3FB7]  }
0x39: {  	_ = 	snop;
	(pc) =	sbr.ind lr, $3  }
0x3a: {  	_ = 	snop  }
0x3b: {  	_ = 	snop  }
0x3c: {  	p2 =	seq.s32 s10, $0x1;
	s10 =	sld [smem:$0x3FB6]  }
0x3d: {  	_ =	shalt  }
0x3e: {  	_ =	shalt  }
0x3f: {  	_ =	shalt  }
0x40: {  	_ =	shalt  }
0x41: {  	_ =	shalt  }
0x42: {  	_ =	shalt  }
0x43: {  	_ =	shalt  }
0x44: {  	_ =	shalt  }
0x45: {  	_ =	shalt  }
0x46: {  	_ =	shalt  }
0x47: {  	_ =	shalt  }
0x48: {  	_ =	shalt  }
0x49: {  	_ =	shalt  }
0x4a: {  	_ =	shalt  }
0x4b: {  	_ =	shalt  }
0x4c: {  	_ =	shalt  }
0x4d: {  	_ =	shalt  }
0x4e: {  	_ =	shalt  }
0x4f: {  	_ =	shalt  }
0x50: {  	_ =	shalt  }
0x51: {  	_ =	shalt  }
0x52: {  	_ =	shalt  }
0x53: {  	_ =	shalt  }
0x54: {  	_ =	shalt  }
0x55: {  	_ =	shalt  }
0x56: {  	_ =	shalt  }
0x57: {  	_ =	shalt  }
0x58: {  	_ =	shalt  }
0x59: {  	_ =	shalt  }
0x5a: {  	_ =	shalt  }
0x5b: {  	_ =	shalt  }
0x5c: {  	_ =	shalt  }
0x5d: {  	_ =	shalt  }
0x5e: {  	_ =	shalt  }
0x5f: {  	_ =	shalt  }
0x60: {  	_ =	shalt  }
0x61: {  	_ =	shalt  }
0x62: {  	_ =	shalt  }
0x63: {  	_ =	shalt  }
0x64: {  	_ =	shalt  }
0x65: {  	_ =	shalt  }
0x66: {  	_ =	shalt  }
0x67: {  	_ =	shalt  }
0x68: {  	_ =	shalt  }
0x69: {  	_ =	shalt  }
0x6a: {  	_ =	shalt  }
0x6b: {  	_ =	shalt  }
0x6c: {  	_ =	shalt  }
0x6d: {  	_ =	shalt  }
0x6e: {  	_ =	shalt  }
0x6f: {  	_ =	shalt  }
0x70: {  	_ =	shalt  }
0x71: {  	_ =	shalt  }
0x72: {  	_ =	shalt  }
0x73: {  	_ =	shalt  }
0x74: {  	_ =	shalt  }
0x75: {  	_ =	shalt  }
0x76: {  	_ =	shalt  }
0x77: {  	_ =	shalt  }
0x78: {  	_ =	shalt  }
0x79: {  	_ =	shalt  }
0x7a: {  	_ =	shalt  }
0x7b: {  	_ =	shalt  }
0x7c: {  	_ =	shalt  }
0x7d: {  	_ =	shalt  }
0x7e: {  	_ =	shalt  }
0x7f: {  	_ =	shalt  }
0x80: {  	_ =	shalt  }
0x81: {  	_ =	shalt  }
0x82: {  	_ =	shalt  }
0x83: {  	_ =	shalt  }
0x84: {  	_ =	shalt  }
0x85: {  	_ =	shalt  }
0x86: {  	_ =	shalt  }
0x87: {  	_ =	shalt  }
.Lfunc_end0:
.L_simem_size_0:
called_computation.2_lowered:
.L_overlay_start_0:
0x88: {  	s2 =	sld [smem:$0x3FD9]  }
0x89: {  	s3 =	sld [smem:$0x3FFE];
	_ =	sdelay $0x1  }
0x8a: {  	s1 =	srdreg.scid  }
0x8b: {  	s0 =	sand.u32 $0x1, s1  }
0x8c: {  	s17 =	sshll.u32 s0, $0xA;
	s2 =	sadd.s32 s3, s2  }
0x8d: {  	s2 =	sadd.s32 s2, s17  }
0x8e: {  	[smem:$0x3FC2] =	sst s2  }
0x8f: {  	_ = 	snop  }
0x90: {  	s2 =	sld [smem:$0x3FD0];
	(tm) =	ssettm $0x1  }
0x91: {  	s18 =	sld [smem:$0x3FFB];
	_ =	sdelay $0x3  }
0x92: {  	_ =	strace s18  }
0x93: {  	s3 =	sld [smem:$0x3FFC];
	_ =	sdelay $0x3  }
0x94: {  	_ =	strace s3  }
0x95: {  	s3 =	sld [smem:$0x3FFD];
	_ =	sdelay $0x3  }
0x96: {  	_ =	strace s3  }
0x97: {  	_ =	strace $0x8FFFFFFF  }
0x98: {  	s19 =	sld [smem:$0x3FDB];
	_ =	sdelay $0x1  }
0x99: {  	s4 =	simm.s32 $_scs_section_size  }
0x9a: {  	s5 =	simm.s32 $_size__tile_overlayer_lowered;
	s6 =	simm.s32 $_tile_overlayer_lowered  }
0x9b: {  	s22 =	simm.s32 $0x1BFF;
	s21 =	sshll.u32 s6, $0x1;
	s3 =	sadd.s32 s4, s19  }
0x9c: {  	s7 =	simm.s32 $0x0;
	s20 =	sshll.u32 s5, $0x1;
	s5 =	sadd.s32 s21, s3  }
0x9d: {  	[timem:s7], [sflag:s22] =	dma.local [hbm:s5], s20  }
0x9e: {  	_ =	swait.ge [sflag:s22], s20  }
0x9f: {  	s4 =	ssub.s32 $0x0, s20;
	[sflag:s22] =	ssyncset.done $0x0  }
0xa0: {  	[sflag:s22] =	ssyncadd.s32 s4;
	_ =	sdelay $0x1  }
0xa1: {  	s23 =	simm.s32 $0x1B8B  }
0xa2: {  	_ =	swait.ge [sflag:s23], $0x1  }
0xa3: {  	[sflag:s23] =	ssyncset.done $0x0  }
0xa4: {  	s25 =	simm.s32 $0x1B8E;
	s24 =	sld [smem:$0x3FFE];
	[sflag:s23] =	ssyncadd.s32 $0xFFFFFFFF  }
0xa5: {  	s26 =	simm.s32 $execute0_lowered;
	[smem:$0x3FD2] =	sst s25  }
0xa6: {  	s5 =	sshll.u32 s26, $0x1;
	_ =	strace $0x8000004C;
	[dreg:$0x1] =	wrdreg $0xFFFFFFFF  }
0xa7: {  	s28 =	simm.s32 $_size_execute0_lowered;
	s3 =	sadd.s32 s3, s5;
	[dreg:$0x0] =	wrdreg $0x0  }
0xa8: {  	s5 =	sshll.u32 s28, $0x1;
	[dreg:$0x2] =	wrdreg s3  }
0xa9: {  	[dreg:$0x3] =	wrdreg s5  }
0xaa: {  	[dreg:$0x4] =	wrdreg $0xC0  }
0xab: {  	_ =	task [dreg:s7], $0x5FFFF  }
0xac: {  	[dreg:$0x1] =	wrdreg $0xFFFFFFFF  }
0xad: {  	[dreg:$0x0] =	wrdreg $0x60  }
0xae: {  	[dreg:$0x2] =	wrdreg s2  }
0xaf: {  	[dreg:$0x3] =	wrdreg s24  }
0xb0: {  	[dreg:$0x4] =	wrdreg $0x90000  }
0xb1: {  	[dreg:$0x5] =	wrdreg $0x9  }
0xb2: {  	_ =	task.clear_ibuf [dreg:s7], $0x6FFFF;
	_ =	strace $0x9000004C  }
0xb3: {  	s29 =	simm.s32 $0x9;
	_ =	strace $0x8000004E  }
0xb4: {  	_ =	swait.ge [sflag:s29], $0x1  }
0xb5: {  	[sflag:s29] =	ssyncadd.s32 $0xFFFFFFFF  }
0xb6: {  	_ =	strace $0x9000004E  }
0xb7: {  	_ =	sfence  }
0xb8: {  	s30 =	sld [smem:$0x0];
	_ =	sdelay $0x2  }
0xb9: {  	s31 =	sshll.u32 s1, $0xD;
	s1 =	sshrl.u32 s1, $0x2  }
0xba: {  	s3 =	sand.u32 $0x4000, s31;
	s1 =	sadd.s32 s1, s30  }
0xbb: {  	s0 =	sor.u32 s3, s0;
	s1 =	sshll.u32 s1, $0x11  }
0xbc: {  	s0 =	sor.u32 s1, s0  }
0xbd: {  	s0 =	sadd.s32 $0x8F2B, s0  }
0xbe: {  	[sflag:s0] =	ssyncadd.remote.s32 $0x1  }
0xbf: {  	_ =	sfence.sel $0xFFFF  }
0xc0: {  	[dreg:$0x0] =	wrdreg $0xFFFFFFFF;
	(pc) =	sbr.abs _section_cstart, $3  }
0xc1: {  	[dreg:$0x1] =	wrdreg $0xFFFFFFFF  }
0xc2: {  	_ =	task.clear_ibuf [dreg:s7], $0x2FFFF;
	_ =	strace $0x9FFFFFFF  }
0xc3: {  	(tm) =	ssettm $0x7FFFFFFF  }
tec
execute0_lowered:
.L_overlay_start_1:
0x0: {  	(tag) =	ssettag $0x1  }
0x1: {  	s1 =	rddreg [dreg:$0x0]  }
0x2: {  	s2 =	srdreg.scid;
	s7 =	rddreg [dreg:$0x1]  }
0x3: {  	s0 =	stileid.u32;
	s3 =	rddreg [dreg:$0x2];
	s4 =	simm.s32 $0x0  }
0x4: {  	s14 =	simm.s32 $0x80;
	s15 =	simm.s32 $0x5000;
	s16 =	simm.s32 $0x1  }
0x5: {  	s17 =	simm.s32 $0x0;
	s6 =	sand.u32 $0x1, s2;
	s9 =	smul.u32 $0x14000, s0  }
0x6: {  	s26 =	sshll.u32 s0, $0x1;
	[smem:$0x7FF] =	sst s4;
	s28 =	smul.u32 $0x50000, s0  }
0x7: {  	s31 =	sshll.u32 s0, $0x6;
	s2 =	sor.u32 s6, s26;
	s8 =	smul.u32 $0x140000, s6  }
0x8: {  	s6 =	ssub.s32 $0x2, s6;
	s5 =	smul.u32 $0x500, s2;
	s2 =	rddreg [dreg:$0x3]  }
0x9: {  	_ =	strace $0x8000004D;
	s29 =	sshrl.u32 s6, $0x1;
	s30 =	sshrl.u32 s28, $0x2  }
0xa: {  	s8 =	sadd.s32 s9, s8;
	s12 =	ssub.s32 s6, s29;
	s13 =	sadd.s32 s30, s3  }
0xb: {  	s6 =	sor.u32 $0x1C02, s31;
	s10 =	sadd.s32 s5, s7;
	s8 =	sshrl.u32 s8, $0x3  }
0xc: {  	s5 =	sadd.s32 $0xC600, s7;
	s11 =	sadd.s32 s8, s7;
	s7 =	sadd.s32 $0x5EE00, s10  }
0xd: {  	s8 =	sadd.s32 $0x2600, s10;
	s10 =	smax.u32 s12, $0x1;
	s12 =	simm.s32 $0x2  }
0xe: {  	s9 =	sadd.s32 $0xEE00, s11;
	s11 =	sshrl.u32 s13, $0x3;
	s13 =	simm.s32 $0x2800  }
.LBB2_1:
0xf: {  	[spmem:s11], [sflag:s6] =	dma.local [hbm:s5], $0x2800  }
0x10: {  	_ =	swait.ge [sflag:s12], $0x2800  }
0x11: {  	[sflag:s12] =	ssyncset.done $0x0  }
0x12: {  	[sflag:s12] =	ssyncadd.s32 $0xFFFFD800  }
0x13: {  	[tilespmem:s4], [sflag:$0x2] =	stream.linear.gather [hbm4b:s7+s4], $0x2780, $0x38;
	[tilespmem:$0x1D000] =	vst v63  }
0x14: {  	_ =	swait.ge [sflag:s12], $0x2780  }
0x15: {  	[sflag:s12] =	ssyncset.done $0x0  }
0x16: {  	[sflag:s12] =	ssyncadd.s32 $0xFFFFD880  }
0x17: {  	[tilespmem:s13], [sflag:$0x2] =	stream.linear.gather [hbm4b:s8+s4], $0x2780, $0x38;
	[tilespmem:$0x1D000] =	vst v63  }
0x18: {  	_ =	swait.ge [sflag:s12], $0x2780  }
0x19: {  	[sflag:s12] =	ssyncset.done $0x0  }
0x1a: {  	[sflag:s12] =	ssyncadd.s32 $0xFFFFD880  }
0x1b: {  	s18 =	simm.s32 $0x0;
	[bflag:$0x0] =	sbarrier.arrive $0xFFFF  }
0x1c: {  	[tilespmem:s15], [sflag:$0x1] =	stream.indirect.gather [hbm4b:s1+s14], $0x80, s18, s14, $0xb8;
	[tilespmem:$0x1D000] =	vst v63  }
0x1d: {  	_ =	swait.ge [sflag:s16], $0x4000  }
0x1e: {  	[sflag:s16] =	ssyncset.done $0x0  }
0x1f: {  	s31 =	simm.s32 $0x2800;
	[sflag:s16] =	ssyncadd.s32 $0xFFFFC000  }
0x20: {  	[spmem:s3] =	stream.indirect.scatter.add.f32 [tilespmem:s15], [sflag:$0x2], $0x80, s31, s14, $0xb8;
	[tilespmem:$0x1D000] =	vst v63  }
0x21: {  	_ =	swait.ge [sflag:s12], $0x4000  }
0x22: {  	s19 =	simm.s32 $0x400;
	s18 =	simm.s32 $0x200;
	[sflag:s12] =	ssyncset.done $0x0  }
.LBB2_2:
0x23: {  	s20 =	sshra.s32 s18, $0x2  }
0x24: {  	[sflag:s12] =	ssyncadd.s32 $0xFFFFC000;
	s18 =	smov.u32 s19;
	s21 =	sadd.s32 $0x200, s19  }
0x25: {  	[tilespmem:s15], [sflag:$0x1] =	stream.indirect.gather [hbm4b:s1+s14], $0x80, s20, s14, $0xb8;
	[tilespmem:$0x1D000] =	vst v63  }
0x26: {  	p0 =	sne.s32 s19, $0x9C00;
	_ =	swait.ge [sflag:s16], $0x4000  }
.Ltmp0:
0x27: {  	[sflag:s16] =	ssyncset.done $0x0;
	(pc) =	sbr.rel @p0 .LBB2_2-.Ltmp0, $4  }
0x28: {  	s19 =	sadd.s32 $0x2800, s20;
	[sflag:s16] =	ssyncadd.s32 $0xFFFFC000  }
0x29: {  	[spmem:s3] =	stream.indirect.scatter.add.f32 [tilespmem:s15], [sflag:$0x2], $0x80, s19, s14, $0xb8;
	[tilespmem:$0x1D000] =	vst v63  }
0x2a: {  	_ =	swait.ge [sflag:s12], $0x4000  }
0x2b: {  	s19 =	smov.u32 s21;
	[sflag:s12] =	ssyncset.done $0x0  }
0x2c: {  	s18 =	sshra.s32 s18, $0x2;
	[sflag:s12] =	ssyncadd.s32 $0xFFFFC000  }
0x2d: {  	[tilespmem:s15], [sflag:$0x1] =	stream.indirect.gather [hbm4b:s1+s14], $0x80, s18, s14, $0xb8;
	[tilespmem:$0x1D000] =	vst v63  }
0x2e: {  	_ =	swait.ge [sflag:s16], $0x4000  }
0x2f: {  	[sflag:s16] =	ssyncset.done $0x0  }
0x30: {  	s18 =	sadd.s32 $0x2800, s18;
	[sflag:s16] =	ssyncadd.s32 $0xFFFFC000  }
0x31: {  	[spmem:s3] =	stream.indirect.scatter.add.f32 [tilespmem:s15], [sflag:$0x2], $0x80, s18, s14, $0xb8;
	[tilespmem:$0x1D000] =	vst v63  }
0x32: {  	_ =	swait.ge [sflag:s12], $0x4000  }
0x33: {  	s17 =	sadd.s32 $0x1, s17;
	[sflag:s12] =	ssyncset.done $0x0  }
0x34: {  	p0 =	sne.s32 s17, s10;
	[sflag:s12] =	ssyncadd.s32 $0xFFFFC000  }
.Ltmp1:
0x35: {  	[bflag:$0x0] =	sbarrier.arrive $0xFFFF;
	(pc) =	sbr.rel @p0 .LBB2_1-.Ltmp1, $4  }
0x36: {  	[hbm:s9], [sflag:s6] =	dma.local [spmem:s11], $0x2800  }
0x37: {  	_ =	swait.ge [sflag:s12], $0x2800  }
0x38: {  	[sflag:s12] =	ssyncset.done $0x0  }
0x39: {  	[sflag:s12] =	ssyncadd.s32 $0xFFFFD800  }
0x3a: {  	_ =	sfence.sel $0x180000  }
0x3b: {  	[bflag:$0x0] =	sbarrier.arrive $0xFFFF  }
0x3c: {  	p0 =	sne.s32 s0, $0x0;
	_ =	strace $0x9000004D  }
0x3d: {  	s0 =	sadd.s32 @!p0 $0x100000, s2;
	[bflag:$0x2] =	sbarrier.arrive $0xFFFF  }
0x3e: {  	[sflag:s0] =	ssyncadd.tile.s32 @!p0 $0x1;
	_ =	shalt  }
.Lfunc_end2:
_tile_overlayer_lowered:
.L_overlay_start_2:
0x3f: {  	(tag) =	ssettag $0x2  }
0x40: {  	s0 =	rddreg [dreg:$0x0];
	s2 =	stileid.u32  }
0x41: {  	s1 =	rddreg [dreg:$0x1];
	p0 =	sne.s32 s2, $0x0  }
0x42: {  	s3 =	rddreg [dreg:$0x2];
	[bflag:$0x3] =	sbarrier.arrive $0xFFFF;
	s2 =	simm.s32 @!p0 $0x1C02  }
0x43: {  	[timem:s3], [sflag:s2] =	dma.local @!p0 [hbm:s0], s1  }
0x44: {  	s0 =	simm.s32 @!p0 $0x2  }
0x45: {  	_ =	swait.ge @!p0 [sflag:s0], s1  }
0x46: {  	s1 =	ssub.s32 @!p0 $0x0, s1;
	[sflag:s0] =	ssyncset.done @!p0 $0x0  }
0x47: {  	[sflag:s0] =	ssyncadd.s32 @!p0 s1  }
0x48: {  	[bflag:$0x3] =	sbarrier.arrive $0xFFFF  }
0x49: {  	_ =	shalt  }

// kernel: _run.8.cloned.1.call-start
scs
__scs_entry_jumppad:
0x0: {  	(pc) =	sbr.rel $0x88, $3  }
0x1: {  	(tag) =	ssettag $0x0;
	lr =	simm.s32 $0x1  }
0x2: {  	[smem:$0x3F9B] =	sst lr;
	_ =	strace $0xD0000000  }
0x3: {  	_ = 	snop  }
0x4: {  	_ = 	snop  }
0x5: {  	_ = 	snop  }
0x6: {  	_ = 	snop  }
0x7: {  	_ = 	snop  }
__scs_overlays_trampoline_lowered:
0x8: {  	[smem:$0x3FAA] =	sst s0  }
0x9: {  	[smem:$0x3FAB] =	sst s1  }
0xa: {  	[smem:$0x3FAC] =	sst s2  }
0xb: {  	[smem:$0x3FAD] =	sst s3  }
0xc: {  	[smem:$0x3FAE] =	sst s4  }
0xd: {  	[smem:$0x3FAF] =	sst s5  }
0xe: {  	[smem:$0x3FB0] =	sst s6  }
0xf: {  	[smem:$0x3FB1] =	sst s7  }
0x10: {  	[smem:$0x3FB2] =	sst s8  }
0x11: {  	[smem:$0x3FB3] =	sst s9;
	s0 =	simm.s32 @!p0 $0x0  }
0x12: {  	s1 =	sld [smem:$0x3F99];
	s0 =	simm.s32 @p0 $0x1  }
0x13: {  	[smem:$0x3FB4] =	sst s0;
	s0 =	simm.s32 @!p1 $0x0  }
0x14: {  	s2 =	sld [smem:$0x3F98];
	s0 =	simm.s32 @p1 $0x1  }
0x15: {  	[smem:$0x3FB5] =	sst s0;
	s0 =	simm.s32 @!p2 $0x0  }
0x16: {  	s3 =	sld [smem:$0x3FDB];
	s0 =	simm.s32 @p2 $0x1  }
0x17: {  	s4 =	simm.s32 $0x1BF5;
	[smem:$0x3FB7] =	sst s0  }
0x18: {  	s0 =	sld [smem:$0x3F9A];
	_ =	swait.ge [sflag:s4], $0x0  }
0x19: {  	s7 =	sld [smem:$0x3F9B]  }
0x1a: {  	s8 =	sadd.s32 $0xFFFFE003, lr  }
0x1b: {  	s9 =	sadd.s32 $0xFFFFFEF7, lr;
	s5 =	simm.s32 $0xFFFFFFFF;
	p2 =	slt.u32 s8, $0xFFFFF086  }
0x1c: {  	p1 =	slt.u32 s9, $0xF7A;
	s5 =	simm.s32 @!p2 $0x0  }
0x1d: {  	s5 =	simm.s32 @p1 $0x1;
	p0 =	seq.s32 s7, s2  }
0x1e: {  	s7 =	smul.u32 @!p0 $0xF7A, s2;
	p2 =	seq.s32 @!p0 s5, $0x0  }
0x1f: {  	s9 =	smul.u32 $0xF7A, s1;
	s8 =	simm.s32 @!p0 $0x1BF5;
	p2 =	por !p2, p0  }
0x20: {  	[sflag:s8] =	ssyncset.s32 @!p0 $0xFFFFF086;
	s6 =	sadd.s32 @!p0 s3, s7;
	s7 =	simm.s32 @!p0 $0x108  }
0x21: {  	s3 =	sadd.s32 s3, s9;
	s6 =	sadd.s32 @!p0 $0x88, s6;
	s7 =	simm.s32 @p2 $0x1082  }
0x22: {  	[simem:s7], [sflag:s8] =	dma.local @!p0 [hbm:s6], $0xF7A  }
0x23: {  	s9 =	sor.u32 $0xD0000000, s2;
	s6 =	simm.s32 $0x108;
	_ =	swait.ge @!p0 [sflag:s8], $0x0  }
0x24: {  	s3 =	sadd.s32 $0x88, s3;
	s6 =	simm.s32 @!p1 $0x1082;
	[sflag:s4] =	ssyncset.s32 $0xFFFFF086  }
0x25: {  	[simem:s6], [sflag:s4] =	dma.local [hbm:s3], $0xF7A  }
0x26: {  	[smem:$0x3F9B] =	sst s1;
	(tag) =	ssettag s2;
	_ =	strace s9  }
0x27: {  	s1 =	sld [smem:$0x3FAB]  }
0x28: {  	s2 =	sld [smem:$0x3FAC]  }
0x29: {  	s4 =	sld [smem:$0x3FAE]  }
0x2a: {  	p0 =	seq.s32 s5, $0x0;
	s5 =	sld [smem:$0x3FAF]  }
0x2b: {  	s6 =	sld [smem:$0x3FB0]  }
0x2c: {  	s7 =	sld [smem:$0x3FB1]  }
0x2d: {  	s3 =	simm.s32 $0x108;
	s8 =	sld [smem:$0x3FB2]  }
0x2e: {  	s3 =	simm.s32 @!p0 $0x1082;
	s9 =	sld [smem:$0x3FB3]  }
0x2f: {  	lr =	sadd.s32 s0, s3;
	s0 =	sld [smem:$0x3FAA]  }
0x30: {  	s3 =	sld [smem:$0x3FAD]  }
0x31: {  	[smem:$0x3FB6] =	sst s10  }
0x32: {  	s10 =	sld [smem:$0x3FB4];
	_ =	sdelay $0x3  }
0x33: {  	p0 =	seq.s32 s10, $0x1;
	s10 =	sld [smem:$0x3FB6];
	_ =	sdelay $0x3  }
0x34: {  	[smem:$0x3FB6] =	sst s10  }
0x35: {  	s10 =	sld [smem:$0x3FB5];
	_ =	sdelay $0x3  }
0x36: {  	p1 =	seq.s32 s10, $0x1;
	s10 =	sld [smem:$0x3FB6];
	_ =	sdelay $0x3  }
0x37: {  	[smem:$0x3FB6] =	sst s10  }
0x38: {  	s10 =	sld [smem:$0x3FB7]  }
0x39: {  	_ = 	snop;
	(pc) =	sbr.ind lr, $3  }
0x3a: {  	_ = 	snop  }
0x3b: {  	_ = 	snop  }
0x3c: {  	p2 =	seq.s32 s10, $0x1;
	s10 =	sld [smem:$0x3FB6]  }
0x3d: {  	_ =	shalt  }
0x3e: {  	_ =	shalt  }
0x3f: {  	_ =	shalt  }
0x40: {  	_ =	shalt  }
0x41: {  	_ =	shalt  }
0x42: {  	_ =	shalt  }
0x43: {  	_ =	shalt  }
0x44: {  	_ =	shalt  }
0x45: {  	_ =	shalt  }
0x46: {  	_ =	shalt  }
0x47: {  	_ =	shalt  }
0x48: {  	_ =	shalt  }
0x49: {  	_ =	shalt  }
0x4a: {  	_ =	shalt  }
0x4b: {  	_ =	shalt  }
0x4c: {  	_ =	shalt  }
0x4d: {  	_ =	shalt  }
0x4e: {  	_ =	shalt  }
0x4f: {  	_ =	shalt  }
0x50: {  	_ =	shalt  }
0x51: {  	_ =	shalt  }
0x52: {  	_ =	shalt  }
0x53: {  	_ =	shalt  }
0x54: {  	_ =	shalt  }
0x55: {  	_ =	shalt  }
0x56: {  	_ =	shalt  }
0x57: {  	_ =	shalt  }
0x58: {  	_ =	shalt  }
0x59: {  	_ =	shalt  }
0x5a: {  	_ =	shalt  }
0x5b: {  	_ =	shalt  }
0x5c: {  	_ =	shalt  }
0x5d: {  	_ =	shalt  }
0x5e: {  	_ =	shalt  }
0x5f: {  	_ =	shalt  }
0x60: {  	_ =	shalt  }
0x61: {  	_ =	shalt  }
0x62: {  	_ =	shalt  }
0x63: {  	_ =	shalt  }
0x64: {  	_ =	shalt  }
0x65: {  	_ =	shalt  }
0x66: {  	_ =	shalt  }
0x67: {  	_ =	shalt  }
0x68: {  	_ =	shalt  }
0x69: {  	_ =	shalt  }
0x6a: {  	_ =	shalt  }
0x6b: {  	_ =	shalt  }
0x6c: {  	_ =	shalt  }
0x6d: {  	_ =	shalt  }
0x6e: {  	_ =	shalt  }
0x6f: {  	_ =	shalt  }
0x70: {  	_ =	shalt  }
0x71: {  	_ =	shalt  }
0x72: {  	_ =	shalt  }
0x73: {  	_ =	shalt  }
0x74: {  	_ =	shalt  }
0x75: {  	_ =	shalt  }
0x76: {  	_ =	shalt  }
0x77: {  	_ =	shalt  }
0x78: {  	_ =	shalt  }
0x79: {  	_ =	shalt  }
0x7a: {  	_ =	shalt  }
0x7b: {  	_ =	shalt  }
0x7c: {  	_ =	shalt  }
0x7d: {  	_ =	shalt  }
0x7e: {  	_ =	shalt  }
0x7f: {  	_ =	shalt  }
0x80: {  	_ =	shalt  }
0x81: {  	_ =	shalt  }
0x82: {  	_ =	shalt  }
0x83: {  	_ =	shalt  }
0x84: {  	_ =	shalt  }
0x85: {  	_ =	shalt  }
0x86: {  	_ =	shalt  }
0x87: {  	_ =	shalt  }
.Lfunc_end0:
.L_simem_size_0:
called_computation_lowered:
.L_overlay_start_0:
0x88: {  	s2 =	sld [smem:$0x3FD9]  }
0x89: {  	s3 =	sld [smem:$0x3FFE];
	_ =	sdelay $0x1  }
0x8a: {  	s1 =	srdreg.scid  }
0x8b: {  	s0 =	sand.u32 $0x1, s1  }
0x8c: {  	s17 =	sshll.u32 s0, $0xA;
	s2 =	sadd.s32 s3, s2  }
0x8d: {  	s2 =	sadd.s32 s2, s17  }
0x8e: {  	[smem:$0x3FC2] =	sst s2  }
0x8f: {  	_ = 	snop  }
0x90: {  	s2 =	sld [smem:$0x3FD0];
	(tm) =	ssettm $0x1  }
0x91: {  	s18 =	sld [smem:$0x3FFB];
	_ =	sdelay $0x3  }
0x92: {  	_ =	strace s18  }
0x93: {  	s3 =	sld [smem:$0x3FFC];
	_ =	sdelay $0x3  }
0x94: {  	_ =	strace s3  }
0x95: {  	s3 =	sld [smem:$0x3FFD];
	_ =	sdelay $0x3  }
0x96: {  	_ =	strace s3  }
0x97: {  	_ =	strace $0x8FFFFFFF  }
0x98: {  	s19 =	sld [smem:$0x3FDB];
	_ =	sdelay $0x1  }
0x99: {  	s4 =	simm.s32 $_scs_section_size  }
0x9a: {  	s5 =	simm.s32 $_size__tile_overlayer_lowered;
	s6 =	simm.s32 $_tile_overlayer_lowered  }
0x9b: {  	s22 =	simm.s32 $0x1BFF;
	s21 =	sshll.u32 s6, $0x1;
	s3 =	sadd.s32 s4, s19  }
0x9c: {  	s7 =	simm.s32 $0x0;
	s20 =	sshll.u32 s5, $0x1;
	s5 =	sadd.s32 s21, s3  }
0x9d: {  	[timem:s7], [sflag:s22] =	dma.local [hbm:s5], s20  }
0x9e: {  	_ =	swait.ge [sflag:s22], s20  }
0x9f: {  	s4 =	ssub.s32 $0x0, s20;
	[sflag:s22] =	ssyncset.done $0x0  }
0xa0: {  	[sflag:s22] =	ssyncadd.s32 s4;
	_ =	sdelay $0x1  }
0xa1: {  	s23 =	simm.s32 $0x1B8B  }
0xa2: {  	_ =	swait.ge [sflag:s23], $0x1  }
0xa3: {  	[sflag:s23] =	ssyncset.done $0x0  }
0xa4: {  	s25 =	simm.s32 $0x1B8E;
	s24 =	sld [smem:$0x3FFE];
	[sflag:s23] =	ssyncadd.s32 $0xFFFFFFFF  }
0xa5: {  	s26 =	simm.s32 $execute0_lowered;
	[smem:$0x3FD2] =	sst s25  }
0xa6: {  	s5 =	sshll.u32 s26, $0x1;
	_ =	strace $0x80000046;
	[dreg:$0x1] =	wrdreg $0xFFFFFFFF  }
0xa7: {  	s28 =	simm.s32 $_size_execute0_lowered;
	s3 =	sadd.s32 s3, s5;
	[dreg:$0x0] =	wrdreg $0x0  }
0xa8: {  	s5 =	sshll.u32 s28, $0x1;
	[dreg:$0x2] =	wrdreg s3  }
0xa9: {  	[dreg:$0x3] =	wrdreg s5  }
0xaa: {  	[dreg:$0x4] =	wrdreg $0xC0  }
0xab: {  	_ =	task [dreg:s7], $0x5FFFF  }
0xac: {  	[dreg:$0x1] =	wrdreg $0xFFFFFFFF  }
0xad: {  	[dreg:$0x0] =	wrdreg $0x60  }
0xae: {  	[dreg:$0x2] =	wrdreg s24  }
0xaf: {  	[dreg:$0x3] =	wrdreg s2  }
0xb0: {  	[dreg:$0x4] =	wrdreg $0x68000  }
0xb1: {  	[dreg:$0x5] =	wrdreg $0x9  }
0xb2: {  	_ =	task.clear_ibuf [dreg:s7], $0x6FFFF;
	_ =	strace $0x90000046  }
0xb3: {  	s29 =	simm.s32 $0x9;
	_ =	strace $0x80000048  }
0xb4: {  	_ =	swait.ge [sflag:s29], $0x1  }
0xb5: {  	[sflag:s29] =	ssyncadd.s32 $0xFFFFFFFF  }
0xb6: {  	_ =	strace $0x90000048  }
0xb7: {  	_ =	sfence  }
0xb8: {  	s30 =	sld [smem:$0x0];
	_ =	sdelay $0x2  }
0xb9: {  	s31 =	sshll.u32 s1, $0xD;
	s1 =	sshrl.u32 s1, $0x2  }
0xba: {  	s3 =	sand.u32 $0x4000, s31;
	s1 =	sadd.s32 s1, s30  }
0xbb: {  	s0 =	sor.u32 s3, s0;
	s1 =	sshll.u32 s1, $0x11  }
0xbc: {  	s0 =	sor.u32 s1, s0  }
0xbd: {  	s0 =	sadd.s32 $0x8F2B, s0  }
0xbe: {  	[sflag:s0] =	ssyncadd.remote.s32 $0x1  }
0xbf: {  	_ =	sfence.sel $0xFFFF  }
0xc0: {  	[dreg:$0x0] =	wrdreg $0xFFFFFFFF;
	(pc) =	sbr.abs _section_cstart, $3  }
0xc1: {  	[dreg:$0x1] =	wrdreg $0xFFFFFFFF  }
0xc2: {  	_ =	task.clear_ibuf [dreg:s7], $0x2FFFF;
	_ =	strace $0x9FFFFFFF  }
0xc3: {  	(tm) =	ssettm $0x7FFFFFFF  }
tec
execute0_lowered:
.L_overlay_start_1:
0x0: {  	(tag) =	ssettag $0x1  }
0x1: {  	s6 =	rddreg [dreg:$0x0]  }
0x2: {  	s1 =	srdreg.scid;
	s2 =	rddreg [dreg:$0x1]  }
0x3: {  	s0 =	stileid.u32;
	s3 =	rddreg [dreg:$0x2];
	s4 =	simm.s32 $0x0  }
0x4: {  	s13 =	simm.s32 $0x80;
	s14 =	simm.s32 $0x0;
	s9 =	smul.u32 $0x14000, s0  }
0x5: {  	s7 =	sand.u32 $0x1, s1;
	s28 =	sshll.u32 s0, $0x1;
	s29 =	smul.u32 $0x50000, s0  }
0x6: {  	[smem:$0x7FF] =	sst s4;
	s1 =	sor.u32 s7, s28;
	s8 =	smul.u32 $0x140000, s7  }
0x7: {  	s31 =	sshll.u32 s0, $0x6;
	s7 =	ssub.s32 $0x2, s7;
	s5 =	smul.u32 $0x500, s1  }
0x8: {  	s1 =	rddreg [dreg:$0x3];
	_ =	strace $0x80000047;
	s30 =	sshrl.u32 s7, $0x1  }
0x9: {  	s8 =	sadd.s32 s9, s8;
	s9 =	sshrl.u32 s29, $0x2;
	s11 =	ssub.s32 s7, s30  }
0xa: {  	s10 =	sadd.s32 s5, s6;
	s5 =	sadd.s32 $0xC600, s6;
	s8 =	sshrl.u32 s8, $0x3  }
0xb: {  	s12 =	sadd.s32 s9, s3;
	s9 =	smax.u32 s11, $0x1;
	s11 =	simm.s32 $0x1  }
0xc: {  	s8 =	sadd.s32 s8, s6;
	s6 =	sor.u32 $0x1C01, s31;
	s7 =	sadd.s32 $0x2600, s10  }
0xd: {  	s10 =	sshrl.u32 s12, $0x3;
	s12 =	simm.s32 $0x2800;
	s8 =	sadd.s32 $0xEE00, s8  }
.LBB2_1:
0xe: {  	[spmem:s10], [sflag:s6] =	dma.local [hbm:s5], $0x2800  }
0xf: {  	_ =	swait.ge [sflag:s11], $0x2800  }
0x10: {  	[sflag:s11] =	ssyncset.done $0x0  }
0x11: {  	[sflag:s11] =	ssyncadd.s32 $0xFFFFD800  }
0x12: {  	[tilespmem:s12], [sflag:$0x1] =	stream.linear.gather [hbm4b:s2+s4], $0x4000, $0x38;
	[tilespmem:$0x1A800] =	vst v63  }
0x13: {  	_ =	swait.ge [sflag:s11], $0x4000  }
0x14: {  	[sflag:s11] =	ssyncset.done $0x0  }
0x15: {  	[sflag:s11] =	ssyncadd.s32 $0xFFFFC000  }
0x16: {  	[tilespmem:s4], [sflag:$0x1] =	stream.linear.gather [hbm4b:s7+s4], $0x2780, $0x38;
	[tilespmem:$0x1A800] =	vst v63  }
0x17: {  	_ =	swait.ge [sflag:s11], $0x2780  }
0x18: {  	[sflag:s11] =	ssyncset.done $0x0  }
0x19: {  	[sflag:s11] =	ssyncadd.s32 $0xFFFFD880  }
0x1a: {  	s15 =	simm.s32 $0x0;
	[bflag:$0x0] =	sbarrier.arrive $0xFFFF  }
0x1b: {  	[spmem:s3] =	stream.indirect.scatter.add.f32 [tilespmem:s12], [sflag:$0x1], $0x80, s15, s13, $0xb8;
	[tilespmem:$0x1A800] =	vst v63  }
0x1c: {  	_ =	swait.ge [sflag:s11], $0x4000  }
0x1d: {  	s15 =	simm.s32 $0x200;
	[sflag:s11] =	ssyncset.done $0x0  }
.LBB2_2:
0x1e: {  	s16 =	sshra.s32 s15, $0x2;
	[sflag:s11] =	ssyncadd.s32 $0xFFFFC000;
	p0 =	sne.s32 s15, $0x9C00  }
0x1f: {  	[spmem:s3] =	stream.indirect.scatter.add.f32 [tilespmem:s12], [sflag:$0x1], $0x80, s16, s13, $0xb8;
	[tilespmem:$0x1A800] =	vst v63  }
.Ltmp0:
0x20: {  	_ = 	snop;
	(pc) =	sbr.rel @p0 .LBB2_2-.Ltmp0, $4  }
0x21: {  	_ = 	snop  }
0x22: {  	s15 =	sadd.s32 $0x200, s15  }
0x23: {  	_ =	swait.ge [sflag:s11], $0x4000  }
0x24: {  	[sflag:s11] =	ssyncset.done $0x0  }
0x25: {  	s14 =	sadd.s32 $0x1, s14  }
0x26: {  	[sflag:s11] =	ssyncadd.s32 $0xFFFFC000;
	p0 =	sne.s32 s14, s9  }
.Ltmp1:
0x27: {  	[bflag:$0x0] =	sbarrier.arrive $0xFFFF;
	(pc) =	sbr.rel @p0 .LBB2_1-.Ltmp1, $4  }
0x28: {  	[hbm:s8], [sflag:s6] =	dma.local [spmem:s10], $0x2800  }
0x29: {  	_ =	swait.ge [sflag:s11], $0x2800  }
0x2a: {  	[sflag:s11] =	ssyncset.done $0x0  }
0x2b: {  	[sflag:s11] =	ssyncadd.s32 $0xFFFFD800  }
0x2c: {  	_ =	sfence.sel $0x180000  }
0x2d: {  	[bflag:$0x0] =	sbarrier.arrive $0xFFFF  }
0x2e: {  	p0 =	sne.s32 s0, $0x0;
	_ =	strace $0x90000047  }
0x2f: {  	s0 =	sadd.s32 @!p0 $0x100000, s1;
	[bflag:$0x2] =	sbarrier.arrive $0xFFFF  }
0x30: {  	[sflag:s0] =	ssyncadd.tile.s32 @!p0 $0x1;
	_ =	shalt  }
.Lfunc_end2:
_tile_overlayer_lowered:
.L_overlay_start_2:
0x31: {  	(tag) =	ssettag $0x2  }
0x32: {  	s0 =	rddreg [dreg:$0x0];
	s2 =	stileid.u32  }
0x33: {  	s1 =	rddreg [dreg:$0x1];
	p0 =	sne.s32 s2, $0x0  }
0x34: {  	s3 =	rddreg [dreg:$0x2];
	[bflag:$0x3] =	sbarrier.arrive $0xFFFF;
	s2 =	simm.s32 @!p0 $0x1C01  }
0x35: {  	[timem:s3], [sflag:s2] =	dma.local @!p0 [hbm:s0], s1  }
0x36: {  	s0 =	simm.s32 @!p0 $0x1  }
0x37: {  	_ =	swait.ge @!p0 [sflag:s0], s1  }
0x38: {  	s1 =	ssub.s32 @!p0 $0x0, s1;
	[sflag:s0] =	ssyncset.done @!p0 $0x0  }
0x39: {  	[sflag:s0] =	ssyncadd.s32 @!p0 s1  }
0x3a: {  	[bflag:$0x3] =	sbarrier.arrive $0xFFFF  }
0x3b: {  	_ =	shalt  }

</sc_bundles>
